<compile_context>
chip_gen: v7x
topology: tpu7x:2x2x1
jax: 0.10.2.dev20260603
libtpu: 0.0.44.dev20260713+nightly
codegen_flags: <defaults>
</compile_context>

<pallas_src>
import dataclasses

import jax
import jax.numpy as jnp
from jax import lax
from jax.experimental import pallas as pl
from jax.experimental.pallas import tpu as pltpu
from jax.experimental.pallas import tpu_sc as plsc

_N = 10000
_P = 10
_E = 320000
_D = 128

_ROWS = 10240
_NW = 32
_CHUNK = 128
_CPW = 80
_BLK = 16
_EPAD = _NW * _CPW * _CHUNK
_RPT = _ROWS // 16


def _elu(v):
    return jnp.where(v > 0, v, jnp.exp(jnp.minimum(v, 0.0)) - 1.0)


def _tc1_body(x_ref, vne_ref, w_ref, b_ref, g_ref, bb_ref, vbh_ref, o_ref):
    def enc(v):
        y = jnp.dot(v, w_ref[...], preferred_element_type=jnp.float32) + b_ref[...]
        mu = jnp.mean(y, axis=-1, keepdims=True)
        var = jnp.mean((y - mu) ** 2, axis=-1, keepdims=True)
        y = (y - mu) / jnp.sqrt(var + 1e-5) * g_ref[...] + bb_ref[...]
        return _elu(y)

    res = enc(x_ref[...])
    vres = enc(vne_ref[...]) + vbh_ref[...]
    o_ref[pl.ds(0, _N)] = res[:_N]
    o_ref[pl.ds(_N, _ROWS - _N)] = jnp.concatenate(
        [vres, jnp.zeros((_ROWS - _N - _P, _D), jnp.float32)], axis=0)


def _sc_body(h_hbm, src_hbm, dst_hbm, agg_hbm, deg_hbm,
             src_v, dst_v, buf, buf2, deg_v, agg_sh, sem, sem2):
    c = lax.axis_index("c")
    s = lax.axis_index("s")
    wid = c * 16 + s
    zero16 = jnp.zeros((16,), jnp.float32)
    one16 = jnp.full((16,), 1.0, jnp.float32)

    @pl.loop(0, _CHUNK)
    def _(r):
        @pl.loop(0, _D // 16)
        def _(k):
            buf[r, pl.ds(k * 16, 16)] = zero16

    @pl.loop(0, _ROWS // 16)
    def _(k):
        deg_v[pl.ds(k * 16, 16)] = zero16

    @pl.loop(0, _RPT // _CHUNK)
    def _(i):
        pltpu.sync_copy(buf, agg_sh.at[pl.ds(s * _RPT + i * _CHUNK, _CHUNK)])

    plsc.subcore_barrier()

    def _drain(j, b, sm):
        pltpu.make_async_copy(h_hbm.at[src_v.at[j]], b, sm).wait()

    def _consume(j, b):
        pltpu.sync_copy(b, agg_sh.at[dst_v.at[j]], add=True)

        @pl.loop(0, _CHUNK // 16)
        def _(k):
            idx16 = dst_v[j, pl.ds(k * 16, 16)]
            plsc.addupdate_scatter(deg_v, [idx16], one16)

    @pl.loop(0, _CPW // _BLK)
    def _(b):
        pltpu.sync_copy(src_hbm.at[wid, pl.ds(b * _BLK, _BLK)], src_v)
        pltpu.sync_copy(dst_hbm.at[wid, pl.ds(b * _BLK, _BLK)], dst_v)

        pltpu.async_copy(h_hbm.at[src_v.at[0]], buf, sem)

        @pl.loop(0, _BLK // 2)
        def _(jj):
            j0 = 2 * jj
            j1 = j0 + 1
            j2 = jnp.minimum(j0 + 2, _BLK - 1)
            pltpu.async_copy(h_hbm.at[src_v.at[j1]], buf2, sem2)
            _drain(j0, buf, sem)
            _consume(j0, buf)
            pltpu.async_copy(h_hbm.at[src_v.at[j2]], buf, sem)
            _drain(j1, buf2, sem2)
            _consume(j1, buf2)

        _drain(_BLK - 1, buf, sem)

    plsc.subcore_barrier()
    pltpu.sync_copy(agg_sh.at[pl.ds(s * _RPT, _RPT)],
                    agg_hbm.at[c, pl.ds(s * _RPT, _RPT)])
    pltpu.sync_copy(deg_v, deg_hbm.at[wid])


def _tc2_body(h_ref, agg_ref, deg_ref, map_ref, wes_ref, wen_ref,
              wa1_ref, wa2_ref, ba_ref, g_ref, b_ref, wo_ref, bo_ref,
              vbd_ref, o_ref):
    h = h_ref[...]
    agg = agg_ref[0] + agg_ref[1]
    ones32 = jnp.ones((_NW, 1), jnp.float32)
    deg = lax.dot_general(deg_ref[...], ones32, (((0,), (0,)), ((), ())),
                          preferred_element_type=jnp.float32)
    m = agg / jnp.maximum(deg, 1.0)
    h2 = (jnp.dot(h, wes_ref[...], preferred_element_type=jnp.float32)
          + jnp.dot(m, wen_ref[...], preferred_element_type=jnp.float32))
    vbd16 = jnp.concatenate(
        [vbd_ref[...], jnp.zeros((16 - _P, _D), jnp.float32)], axis=0)
    rowi = lax.broadcasted_iota(jnp.int32, (_ROWS, 16), 0)
    coli = lax.broadcasted_iota(jnp.int32, (_ROWS, 16), 1)
    ohv = (rowi - _N == coli).astype(jnp.float32)
    h2 = _elu(h2) + jnp.dot(ohv, vbd16, preferred_element_type=jnp.float32)
    vx = h2[_N:_N + 16]
    vtab = jnp.dot(vx, wa2_ref[...], preferred_element_type=jnp.float32)
    onehot = (map_ref[...] ==
              lax.broadcasted_iota(jnp.int32, (_ROWS, 16), 1)).astype(jnp.float32)
    sel = jnp.dot(onehot, vtab, preferred_element_type=jnp.float32)
    y = jnp.dot(h2, wa1_ref[...], preferred_element_type=jnp.float32) + sel + ba_ref[...]
    mu = jnp.mean(y, axis=-1, keepdims=True)
    var = jnp.mean((y - mu) ** 2, axis=-1, keepdims=True)
    y = (y - mu) / jnp.sqrt(var + 1e-5) * g_ref[...] + b_ref[...]
    nx = _elu(y)
    o = jnp.dot(nx, wo_ref[...], preferred_element_type=jnp.float32) + bo_ref[...]
    o_ref[...] = o[:_N]


def _seg_sum(h, src, dst):
    mesh = plsc.VectorSubcoreMesh(core_axis_name="c", subcore_axis_name="s")
    cp = pltpu.CompilerParams()
    if "needs_layout_passes" in pltpu.CompilerParams.__dataclass_fields__:
        cp = dataclasses.replace(cp, needs_layout_passes=False)
    return pl.kernel(
        _sc_body,
        out_type=[jax.ShapeDtypeStruct((2, _ROWS, _D), jnp.float32),
                  jax.ShapeDtypeStruct((_NW, _ROWS), jnp.float32)],
        mesh=mesh,
        scratch_types=[
            pltpu.VMEM((_BLK, _CHUNK), jnp.int32),
            pltpu.VMEM((_BLK, _CHUNK), jnp.int32),
            pltpu.VMEM((_CHUNK, _D), jnp.float32),
            pltpu.VMEM((_CHUNK, _D), jnp.float32),
            pltpu.VMEM((_ROWS,), jnp.float32),
            pltpu.VMEM_SHARED((_ROWS, _D), jnp.float32),
            pltpu.SemaphoreType.DMA,
            pltpu.SemaphoreType.DMA,
        ],
        compiler_params=cp,
    )(h, src, dst)


def kernel(x, edge_index, mapping, W_in, b_in, ln_hid_g, ln_hid_b,
           W_enc_self, W_enc_nbr, ln_enc_g, ln_enc_b,
           W_aggr, b_aggr, W_out, b_out, vnode_embed, vb_hid, vb_dcd):
    f32 = jnp.float32
    npad = _EPAD - _E
    pad_iota = jnp.arange(npad, dtype=jnp.int32)
    pad_src = pad_iota % _N
    pad_dst = _N + _P + (pad_iota % (_ROWS - (_N + _P)))
    src = jnp.concatenate(
        [edge_index[0], pad_src]).reshape(_NW, _CPW, _CHUNK)
    dst = jnp.concatenate(
        [edge_index[1], pad_dst]).reshape(_NW, _CPW, _CHUNK)
    map_pad = jnp.concatenate(
        [mapping, jnp.zeros((_ROWS - _N,), jnp.int32)]).reshape(_ROWS, 1)

    h = pl.pallas_call(
        _tc1_body, out_shape=jax.ShapeDtypeStruct((_ROWS, _D), f32))(
        x[:_N], vnode_embed, W_in, b_in.reshape(1, _D), ln_hid_g.reshape(1, _D),
        ln_hid_b.reshape(1, _D), vb_hid)

    agg, deg = _seg_sum(h, src, dst)

    out = pl.pallas_call(
        _tc2_body, out_shape=jax.ShapeDtypeStruct((_N, _D), f32))(
        h, agg, deg, map_pad, W_enc_self, W_enc_nbr,
        W_aggr[:_D], W_aggr[_D:], b_aggr.reshape(1, _D),
        ln_enc_g.reshape(1, _D), ln_enc_b.reshape(1, _D),
        W_out, b_out.reshape(1, _D), vb_dcd)
    return (out, jnp.float32(0.0), out, mapping)

# --- scband reference (transcript-rebuilt; emitter-appended) ---
"""Pipeline reference for scband-clusteror-35485019800225 (READ-ONLY COPY).

The authoritative reference and input builder live on the scoring server;
editing this copy changes nothing except your own understanding.
"""

import jax, jax.numpy as jnp
import numpy as np

N = 10000
P = 10
E = 320000
D = 128


def _ln(x, g, b):
    mu = jnp.mean(x, axis=-1, keepdims=True)
    var = jnp.mean((x - mu) ** 2, axis=-1, keepdims=True)
    return (x - mu) / jnp.sqrt(var + 1e-5) * g + b


def setup_inputs(seed: int = 0):
    key = jax.random.key(seed)
    ks = jax.random.split(key, 20)
    s = 1.0 / np.sqrt(D)
    return {
        "x": jax.random.normal(ks[0], (N + P, D), dtype=jnp.float32),
        "edge_index": jax.random.randint(ks[1], (2, E), 0, N + P, dtype=jnp.int32),
        "mapping": jax.random.randint(ks[2], (N,), 0, P, dtype=jnp.int32),
        "W_in": jax.random.normal(ks[3], (D, D), dtype=jnp.float32) * s,
        "b_in": jnp.zeros((D,), jnp.float32),
        "ln_hid_g": jnp.ones((D,), jnp.float32),
        "ln_hid_b": jnp.zeros((D,), jnp.float32),
        "W_enc_self": jax.random.normal(ks[4], (D, D), jnp.float32) * s,
        "W_enc_nbr": jax.random.normal(ks[5], (D, D), jnp.float32) * s,
        "ln_enc_g": jnp.ones((D,), jnp.float32),
        "ln_enc_b": jnp.zeros((D,), jnp.float32),
        "W_aggr": jax.random.normal(ks[6], (2 * D, D), jnp.float32) * (1.0 / np.sqrt(2 * D)),
        "b_aggr": jnp.zeros((D,), jnp.float32),
        "W_out": jax.random.normal(ks[7], (D, D), jnp.float32) * s,
        "b_out": jnp.zeros((D,), jnp.float32),
        "vnode_embed": jax.random.normal(ks[8], (P, D), jnp.float32),
        "vb_hid": jax.random.normal(ks[9], (P, D), jnp.float32) * 0.1,
        "vb_dcd": jax.random.normal(ks[10], (P, D), jnp.float32) * 0.1,
    }


def reference(x, edge_index, mapping, W_in, b_in, ln_hid_g, ln_hid_b,
              W_enc_self, W_enc_nbr, ln_enc_g, ln_enc_b,
              W_aggr, b_aggr, W_out, b_out, vnode_embed, vb_hid, vb_dcd):
    # x[-P:] = vnode_embed
    x = x.at[N:].set(vnode_embed)
    # x = elu(ln_hid(in2hid(x)))
    x = jax.nn.elu(_ln(x @ W_in + b_in, ln_hid_g, ln_hid_b))
    # x[-P:] += vnode_bias_hid
    x = x.at[N:].add(vb_hid)
    # encoder: one-round mean-aggregation message passing (scatter-add gather)
    src = edge_index[0]
    dst = edge_index[1]
    agg = jax.ops.segment_sum(x[src], dst, num_segments=N + P)
    deg = jax.ops.segment_sum(jnp.ones((E,), jnp.float32), dst, num_segments=N + P)
    x = jax.nn.elu(x @ W_enc_self + (agg / jnp.clip(deg, 1.0)[:, None]) @ W_enc_nbr)
    loss = jnp.float32(0.0)
    # mapping provided -> cluster_id = mapping; cluster_idx = cluster_id + n
    cluster_idx = mapping + N
    # x[-P:] += vnode_bias_dcd
    x = x.at[N:].add(vb_dcd)
    v_x = x[N:]
    # n_x = cat([x[:-P], x[cluster_idx]], dim=1)
    n_x = jnp.concatenate([x[:N], x[cluster_idx]], axis=1)
    n_x = jax.nn.elu(_ln(n_x @ W_aggr + b_aggr, ln_enc_g, ln_enc_b))
    # dropout is identity in eval mode
    x = jnp.concatenate([n_x, v_x], axis=0)
    x = x @ W_out + b_out
    out = x[:N]
    cluster_reps = x[:N]
    cluster_mapping = mapping
    return (out, loss, cluster_reps, cluster_mapping)

if __name__ == "__main__":
    import jax
    _d = setup_inputs()
    print(jax.jit(kernel)(*tuple(_d.values())))

</pallas_src>

<mosaic_0001>
#map = affine_map<(d0, d1) -> (0, 0)>
#map1 = affine_map<(d0, d1) -> (0, 0, 0)>
module attributes {stable_mosaic.version = 14 : i64} {
  func.func @_sc_body(%arg0: i32, %arg1: i32, %arg2: memref<10240x128xf32, #tpu.memory_space<hbm>>, %arg3: memref<32x80x128xi32, #tpu.memory_space<hbm>>, %arg4: memref<32x80x128xi32, #tpu.memory_space<hbm>>, %arg5: memref<2x10240x128xf32, #tpu.memory_space<hbm>>, %arg6: memref<32x10240xf32, #tpu.memory_space<hbm>>, %arg7: memref<16x128xi32, #tpu.memory_space<vmem>>, %arg8: memref<16x128xi32, #tpu.memory_space<vmem>>, %arg9: memref<128x128xf32, #tpu.memory_space<vmem>>, %arg10: memref<128x128xf32, #tpu.memory_space<vmem>>, %arg11: memref<10240xf32, #tpu.memory_space<vmem>>, %arg12: memref<10240x128xf32, #tpu.memory_space<vmem_shared>>, %arg13: memref<!tpu.dma_semaphore, #tpu.memory_space<semaphore_mem>>, %arg14: memref<!tpu.dma_semaphore, #tpu.memory_space<semaphore_mem>>) attributes {dimension_semantics = [#tpu.dimension_semantics<core_parallel>, #tpu.dimension_semantics<subcore_parallel>], iteration_bounds = array<i64: 2, 16>, scalar_prefetch = 0 : i64, scratch_operands = 8 : i64, tpu.core_type = #tpu.core_type<sc_vector_subcore>, window_params = [{transform_indices = #map}, {transform_indices = #map1}, {transform_indices = #map1}, {transform_indices = #map1}, {transform_indices = #map}]} {
    %mul3A = arith.constant 16 : i32
    %mul3A_0 = arith.muli %arg0, %mul3A : i32
    %add3A = arith.addi %mul3A_0, %arg1 : i32
    %broadcast_in_dim3A = arith.constant 0.000000e+00 : f32
    %broadcast_in_dim3A_1 = vector.broadcast %broadcast_in_dim3A : f32 to vector<16xf32>
    %broadcast_in_dim3A_2 = arith.constant 1.000000e+00 : f32
    %broadcast_in_dim3A_3 = vector.broadcast %broadcast_in_dim3A_2 : f32 to vector<16xf32>
    %scan3A = arith.constant 0 : i32
    %scan3A_4 = arith.constant 128 : i32
    %scan3A_5 = arith.addi %scan3A, %scan3A_4 : i32
    %scan3A_6 = arith.constant 1 : i32
    scf.for %scan3A_28 = %scan3A to %scan3A_5 step %scan3A_6  : i32 {
      %mul3A_29 = arith.constant 1 : i32
      %mul3A_30 = arith.muli %scan3A_28, %mul3A_29 : i32
      %add3A_31 = arith.constant 0 : i32
      %add3A_32 = arith.addi %add3A_31, %mul3A_30 : i32
      %scan3A_33 = arith.constant 0 : i32
      %scan3A_34 = arith.constant 8 : i32
      %scan3A_35 = arith.addi %scan3A_33, %scan3A_34 : i32
      %scan3A_36 = arith.constant 1 : i32
      scf.for %scan3A_38 = %scan3A_33 to %scan3A_35 step %scan3A_36  : i32 {
        %mul3A_39 = arith.constant 1 : i32
        %mul3A_40 = arith.muli %scan3A_38, %mul3A_39 : i32
        %add3A_41 = arith.constant 0 : i32
        %add3A_42 = arith.addi %add3A_41, %mul3A_40 : i32
        %mul3A_43 = arith.constant 16 : i32
        %mul3A_44 = arith.muli %add3A_42, %mul3A_43 : i32
        %swap3A = arith.index_cast %add3A_32 : i32 to index
        %swap3A_45 = arith.index_cast %mul3A_44 : i32 to index
        %swap3A_46 = tpu.vector_load %arg9[%swap3A, %swap3A_45] {strides = array<i32>} : memref<128x128xf32, #tpu.memory_space<vmem>>, vector<16xf32>,
        tpu.vector_store %arg9[%swap3A, %swap3A_45], %broadcast_in_dim3A_1 {strides = array<i32>} : memref<128x128xf32, #tpu.memory_space<vmem>>, vector<16xf32>,
      }
      %scan3A_37 = arith.constant 8 : i32
    }
    %scan3A_7 = arith.constant 128 : i32
    %scan3A_8 = arith.constant 0 : i32
    %scan3A_9 = arith.constant 640 : i32
    %scan3A_10 = arith.addi %scan3A_8, %scan3A_9 : i32
    %scan3A_11 = arith.constant 1 : i32
    scf.for %scan3A_28 = %scan3A_8 to %scan3A_10 step %scan3A_11  : i32 {
      %mul3A_29 = arith.constant 1 : i32
      %mul3A_30 = arith.muli %scan3A_28, %mul3A_29 : i32
      %add3A_31 = arith.constant 0 : i32
      %add3A_32 = arith.addi %add3A_31, %mul3A_30 : i32
      %mul3A_33 = arith.constant 16 : i32
      %mul3A_34 = arith.muli %add3A_32, %mul3A_33 : i32
      %swap3A = arith.index_cast %mul3A_34 : i32 to index
      %swap3A_35 = tpu.vector_load %arg11[%swap3A] {strides = array<i32>} : memref<10240xf32, #tpu.memory_space<vmem>>, vector<16xf32>,
      tpu.vector_store %arg11[%swap3A], %broadcast_in_dim3A_1 {strides = array<i32>} : memref<10240xf32, #tpu.memory_space<vmem>>, vector<16xf32>,
    }
    %scan3A_12 = arith.constant 640 : i32
    %scan3A_13 = arith.constant 0 : i32
    %scan3A_14 = arith.constant 5 : i32
    %scan3A_15 = arith.addi %scan3A_13, %scan3A_14 : i32
    %scan3A_16 = arith.constant 1 : i32
    scf.for %scan3A_28 = %scan3A_13 to %scan3A_15 step %scan3A_16  : i32 {
      %mul3A_29 = arith.constant 1 : i32
      %mul3A_30 = arith.muli %scan3A_28, %mul3A_29 : i32
      %add3A_31 = arith.constant 0 : i32
      %add3A_32 = arith.addi %add3A_31, %mul3A_30 : i32
      %mul3A_33 = arith.constant 640 : i32
      %mul3A_34 = arith.muli %arg1, %mul3A_33 : i32
      %mul3A_35 = arith.constant 128 : i32
      %mul3A_36 = arith.muli %add3A_32, %mul3A_35 : i32
      %add3A_37 = arith.addi %mul3A_34, %mul3A_36 : i32
      "tpu.region"() ({
        %run_scoped3A = tpu.sem_alloc : memref<!tpu.dma_semaphore, #tpu.memory_space<semaphore_mem>>
        %dma_start3A = arith.constant 0 : i32
        %dma_start3A_38 = tpu.memref_slice %arg12[%add3A_37, %dma_start3A] : memref<10240x128xf32, #tpu.memory_space<vmem_shared>> -> memref<128x128xf32, #tpu.memory_space<vmem_shared>>
        %dma_start3A_39 = arith.constant 0 : i32
        %dma_start3A_40 = tpu.memref_slice %arg12[%add3A_37, %dma_start3A_39] : memref<10240x128xf32, #tpu.memory_space<vmem_shared>> -> memref<128x128xf32, #tpu.memory_space<vmem_shared>>
        tpu.enqueue_dma source(%arg9 : memref<128x128xf32, #tpu.memory_space<vmem>>) target(%dma_start3A_40 : memref<128x128xf32, #tpu.memory_space<vmem_shared>>) target_semaphore(%run_scoped3A : memref<!tpu.dma_semaphore, #tpu.memory_space<semaphore_mem>>)
        %dma_wait3A = arith.constant 0 : i32
        %dma_wait3A_41 = tpu.memref_slice %arg12[%add3A_37, %dma_wait3A] : memref<10240x128xf32, #tpu.memory_space<vmem_shared>> -> memref<128x128xf32, #tpu.memory_space<vmem_shared>>
        %dma_wait3A_42 = arith.constant 0 : i32
        %dma_wait3A_43 = tpu.memref_slice %arg12[%add3A_37, %dma_wait3A_42] : memref<10240x128xf32, #tpu.memory_space<vmem_shared>> -> memref<128x128xf32, #tpu.memory_space<vmem_shared>>
        tpu.wait_dma2 semaphore(%run_scoped3A : memref<!tpu.dma_semaphore, #tpu.memory_space<semaphore_mem>>) src(%arg9 : memref<128x128xf32, #tpu.memory_space<vmem>>) dst(%dma_wait3A_43 : memref<128x128xf32, #tpu.memory_space<vmem_shared>>)
        tpu.yield
      }) : () -> ()
    }
    %scan3A_17 = arith.constant 5 : i32
    %barrier3A = arith.constant 0 : index
    tpu.barrier barrier_id(%barrier3A)
    %scan3A_18 = arith.constant 0 : i32
    %scan3A_19 = arith.constant 5 : i32
    %scan3A_20 = arith.addi %scan3A_18, %scan3A_19 : i32
    %scan3A_21 = arith.constant 1 : i32
    scf.for %scan3A_28 = %scan3A_18 to %scan3A_20 step %scan3A_21  : i32 {
      %mul3A_29 = arith.constant 1 : i32
      %mul3A_30 = arith.muli %scan3A_28, %mul3A_29 : i32
      %add3A_31 = arith.constant 0 : i32
      %add3A_32 = arith.addi %add3A_31, %mul3A_30 : i32
      %mul3A_33 = arith.constant 16 : i32
      %mul3A_34 = arith.muli %add3A_32, %mul3A_33 : i32
      "tpu.region"() ({
        %run_scoped3A = tpu.sem_alloc : memref<!tpu.dma_semaphore, #tpu.memory_space<semaphore_mem>>
        %dma_start3A_54 = arith.constant 0 : i32
        %dma_start3A_55 = tpu.memref_slice %arg3[%add3A, %mul3A_34, %dma_start3A_54] : memref<32x80x128xi32, #tpu.memory_space<hbm>> -> memref<1x16x128xi32, #tpu.memory_space<hbm>>
        %dma_start3A_56 = tpu.memref_squeeze %dma_start3A_55 : memref<1x16x128xi32, #tpu.memory_space<hbm>> -> memref<16x128xi32, #tpu.memory_space<hbm>>
        %dma_start3A_57 = arith.constant 0 : i32
        %dma_start3A_58 = tpu.memref_slice %arg3[%add3A, %mul3A_34, %dma_start3A_57] : memref<32x80x128xi32, #tpu.memory_space<hbm>> -> memref<1x16x128xi32, #tpu.memory_space<hbm>>
        %dma_start3A_59 = tpu.memref_squeeze %dma_start3A_58 : memref<1x16x128xi32, #tpu.memory_space<hbm>> -> memref<16x128xi32, #tpu.memory_space<hbm>>
        tpu.enqueue_dma source(%dma_start3A_59 : memref<16x128xi32, #tpu.memory_space<hbm>>) target(%arg7 : memref<16x128xi32, #tpu.memory_space<vmem>>) target_semaphore(%run_scoped3A : memref<!tpu.dma_semaphore, #tpu.memory_space<semaphore_mem>>)
        %dma_wait3A_60 = arith.constant 0 : i32
        %dma_wait3A_61 = tpu.memref_slice %arg3[%add3A, %mul3A_34, %dma_wait3A_60] : memref<32x80x128xi32, #tpu.memory_space<hbm>> -> memref<1x16x128xi32, #tpu.memory_space<hbm>>
        %dma_wait3A_62 = tpu.memref_squeeze %dma_wait3A_61 : memref<1x16x128xi32, #tpu.memory_space<hbm>> -> memref<16x128xi32, #tpu.memory_space<hbm>>
        %dma_wait3A_63 = arith.constant 0 : i32
        %dma_wait3A_64 = tpu.memref_slice %arg3[%add3A, %mul3A_34, %dma_wait3A_63] : memref<32x80x128xi32, #tpu.memory_space<hbm>> -> memref<1x16x128xi32, #tpu.memory_space<hbm>>
        %dma_wait3A_65 = tpu.memref_squeeze %dma_wait3A_64 : memref<1x16x128xi32, #tpu.memory_space<hbm>> -> memref<16x128xi32, #tpu.memory_space<hbm>>
        tpu.wait_dma2 semaphore(%run_scoped3A : memref<!tpu.dma_semaphore, #tpu.memory_space<semaphore_mem>>) src(%dma_wait3A_65 : memref<16x128xi32, #tpu.memory_space<hbm>>) dst(%arg7 : memref<16x128xi32, #tpu.memory_space<vmem>>)
        tpu.yield
      }) : () -> ()
      %mul3A_35 = arith.constant 16 : i32
      %mul3A_36 = arith.muli %add3A_32, %mul3A_35 : i32
      "tpu.region"() ({
        %run_scoped3A = tpu.sem_alloc : memref<!tpu.dma_semaphore, #tpu.memory_space<semaphore_mem>>
        %dma_start3A_54 = arith.constant 0 : i32
        %dma_start3A_55 = tpu.memref_slice %arg4[%add3A, %mul3A_36, %dma_start3A_54] : memref<32x80x128xi32, #tpu.memory_space<hbm>> -> memref<1x16x128xi32, #tpu.memory_space<hbm>>
        %dma_start3A_56 = tpu.memref_squeeze %dma_start3A_55 : memref<1x16x128xi32, #tpu.memory_space<hbm>> -> memref<16x128xi32, #tpu.memory_space<hbm>>
        %dma_start3A_57 = arith.constant 0 : i32
        %dma_start3A_58 = tpu.memref_slice %arg4[%add3A, %mul3A_36, %dma_start3A_57] : memref<32x80x128xi32, #tpu.memory_space<hbm>> -> memref<1x16x128xi32, #tpu.memory_space<hbm>>
        %dma_start3A_59 = tpu.memref_squeeze %dma_start3A_58 : memref<1x16x128xi32, #tpu.memory_space<hbm>> -> memref<16x128xi32, #tpu.memory_space<hbm>>
        tpu.enqueue_dma source(%dma_start3A_59 : memref<16x128xi32, #tpu.memory_space<hbm>>) target(%arg8 : memref<16x128xi32, #tpu.memory_space<vmem>>) target_semaphore(%run_scoped3A : memref<!tpu.dma_semaphore, #tpu.memory_space<semaphore_mem>>)
        %dma_wait3A_60 = arith.constant 0 : i32
        %dma_wait3A_61 = tpu.memref_slice %arg4[%add3A, %mul3A_36, %dma_wait3A_60] : memref<32x80x128xi32, #tpu.memory_space<hbm>> -> memref<1x16x128xi32, #tpu.memory_space<hbm>>
        %dma_wait3A_62 = tpu.memref_squeeze %dma_wait3A_61 : memref<1x16x128xi32, #tpu.memory_space<hbm>> -> memref<16x128xi32, #tpu.memory_space<hbm>>
        %dma_wait3A_63 = arith.constant 0 : i32
        %dma_wait3A_64 = tpu.memref_slice %arg4[%add3A, %mul3A_36, %dma_wait3A_63] : memref<32x80x128xi32, #tpu.memory_space<hbm>> -> memref<1x16x128xi32, #tpu.memory_space<hbm>>
        %dma_wait3A_65 = tpu.memref_squeeze %dma_wait3A_64 : memref<1x16x128xi32, #tpu.memory_space<hbm>> -> memref<16x128xi32, #tpu.memory_space<hbm>>
        tpu.wait_dma2 semaphore(%run_scoped3A : memref<!tpu.dma_semaphore, #tpu.memory_space<semaphore_mem>>) src(%dma_wait3A_65 : memref<16x128xi32, #tpu.memory_space<hbm>>) dst(%arg8 : memref<16x128xi32, #tpu.memory_space<vmem>>)
        tpu.yield
      }) : () -> ()
      %dma_start3A = arith.constant 0 : i32
      %dma_start3A_37 = arith.constant 0 : i32
      %dma_start3A_38 = tpu.memref_slice %arg7[%dma_start3A, %dma_start3A_37] : memref<16x128xi32, #tpu.memory_space<vmem>> -> memref<1x128xi32, #tpu.memory_space<vmem>>
      %dma_start3A_39 = tpu.memref_squeeze %dma_start3A_38 : memref<1x128xi32, #tpu.memory_space<vmem>> -> memref<128xi32, #tpu.memory_space<vmem>>
      %dma_start3A_40 = arith.constant 0 : i32
      %dma_start3A_41 = arith.constant 0 : i32
      %dma_start3A_42 = tpu.memref_slice %arg2[%dma_start3A_40, %dma_start3A_41] : memref<10240x128xf32, #tpu.memory_space<hbm>> -> memref<10240x128xf32, #tpu.memory_space<hbm>>
      tpu.enqueue_indirect_dma source(%dma_start3A_42 : memref<10240x128xf32, #tpu.memory_space<hbm>>) target(%arg9 : memref<128x128xf32, #tpu.memory_space<vmem>>) offsets(%dma_start3A_39 : memref<128xi32, #tpu.memory_space<vmem>>) semaphore(%arg13 : memref<!tpu.dma_semaphore, #tpu.memory_space<semaphore_mem>>)
      %scan3A_43 = arith.constant 0 : i32
      %scan3A_44 = arith.constant 8 : i32
      %scan3A_45 = arith.addi %scan3A_43, %scan3A_44 : i32
      %scan3A_46 = arith.constant 1 : i32
      scf.for %scan3A_54 = %scan3A_43 to %scan3A_45 step %scan3A_46  : i32 {
        %mul3A_55 = arith.constant 1 : i32
        %mul3A_56 = arith.muli %scan3A_54, %mul3A_55 : i32
        %add3A_57 = arith.constant 0 : i32
        %add3A_58 = arith.addi %add3A_57, %mul3A_56 : i32
        %mul3A_59 = arith.constant 2 : i32
        %mul3A_60 = arith.muli %mul3A_59, %add3A_58 : i32
        %add3A_61 = arith.constant 1 : i32
        %add3A_62 = arith.addi %mul3A_60, %add3A_61 : i32
        %add3A_63 = arith.constant 2 : i32
        %add3A_64 = arith.addi %mul3A_60, %add3A_63 : i32
        %min3A = arith.constant 15 : i32
        %min3A_65 = arith.minsi %add3A_64, %min3A : i32
        %dma_start3A_66 = arith.constant 0 : i32
        %dma_start3A_67 = tpu.memref_slice %arg7[%add3A_62, %dma_start3A_66] : memref<16x128xi32, #tpu.memory_space<vmem>> -> memref<1x128xi32, #tpu.memory_space<vmem>>
        %dma_start3A_68 = tpu.memref_squeeze %dma_start3A_67 : memref<1x128xi32, #tpu.memory_space<vmem>> -> memref<128xi32, #tpu.memory_space<vmem>>
        %dma_start3A_69 = arith.constant 0 : i32
        %dma_start3A_70 = arith.constant 0 : i32
        %dma_start3A_71 = tpu.memref_slice %arg2[%dma_start3A_69, %dma_start3A_70] : memref<10240x128xf32, #tpu.memory_space<hbm>> -> memref<10240x128xf32, #tpu.memory_space<hbm>>
        tpu.enqueue_indirect_dma source(%dma_start3A_71 : memref<10240x128xf32, #tpu.memory_space<hbm>>) target(%arg10 : memref<128x128xf32, #tpu.memory_space<vmem>>) offsets(%dma_start3A_68 : memref<128xi32, #tpu.memory_space<vmem>>) semaphore(%arg14 : memref<!tpu.dma_semaphore, #tpu.memory_space<semaphore_mem>>)
        %dma_wait3A_72 = arith.constant 0 : i32
        %dma_wait3A_73 = tpu.memref_slice %arg7[%mul3A_60, %dma_wait3A_72] : memref<16x128xi32, #tpu.memory_space<vmem>> -> memref<1x128xi32, #tpu.memory_space<vmem>>
        %dma_wait3A_74 = tpu.memref_squeeze %dma_wait3A_73 : memref<1x128xi32, #tpu.memory_space<vmem>> -> memref<128xi32, #tpu.memory_space<vmem>>
        %dma_wait3A_75 = arith.constant 0 : i32
        %dma_wait3A_76 = arith.constant 0 : i32
        %dma_wait3A_77 = tpu.memref_slice %arg2[%dma_wait3A_75, %dma_wait3A_76] : memref<10240x128xf32, #tpu.memory_space<hbm>> -> memref<10240x128xf32, #tpu.memory_space<hbm>>
        tpu.wait_indirect_dma semaphore(%arg13 : memref<!tpu.dma_semaphore, #tpu.memory_space<semaphore_mem>>) src(%dma_wait3A_77 : memref<10240x128xf32, #tpu.memory_space<hbm>>) dst(%arg9 : memref<128x128xf32, #tpu.memory_space<vmem>>)
        "tpu.region"() ({
          %run_scoped3A = tpu.sem_alloc : memref<!tpu.dma_semaphore, #tpu.memory_space<semaphore_mem>>
          %dma_start3A_100 = arith.constant 0 : i32
          %dma_start3A_101 = tpu.memref_slice %arg8[%mul3A_60, %dma_start3A_100] : memref<16x128xi32, #tpu.memory_space<vmem>> -> memref<1x128xi32, #tpu.memory_space<vmem>>
          %dma_start3A_102 = tpu.memref_squeeze %dma_start3A_101 : memref<1x128xi32, #tpu.memory_space<vmem>> -> memref<128xi32, #tpu.memory_space<vmem>>
          %dma_start3A_103 = arith.constant 0 : i32
          %dma_start3A_104 = arith.constant 0 : i32
          %dma_start3A_105 = tpu.memref_slice %arg12[%dma_start3A_103, %dma_start3A_104] : memref<10240x128xf32, #tpu.memory_space<vmem_shared>> -> memref<10240x128xf32, #tpu.memory_space<vmem_shared>>
          tpu.enqueue_indirect_dma source(%arg9 : memref<128x128xf32, #tpu.memory_space<vmem>>) target(%dma_start3A_105 : memref<10240x128xf32, #tpu.memory_space<vmem_shared>>) offsets(%dma_start3A_102 : memref<128xi32, #tpu.memory_space<vmem>>) semaphore(%run_scoped3A : memref<!tpu.dma_semaphore, #tpu.memory_space<semaphore_mem>>) {add = true}
          %dma_wait3A_106 = arith.constant 0 : i32
          %dma_wait3A_107 = tpu.memref_slice %arg8[%mul3A_60, %dma_wait3A_106] : memref<16x128xi32, #tpu.memory_space<vmem>> -> memref<1x128xi32, #tpu.memory_space<vmem>>
          %dma_wait3A_108 = tpu.memref_squeeze %dma_wait3A_107 : memref<1x128xi32, #tpu.memory_space<vmem>> -> memref<128xi32, #tpu.memory_space<vmem>>
          %dma_wait3A_109 = arith.constant 0 : i32
          %dma_wait3A_110 = arith.constant 0 : i32
          %dma_wait3A_111 = tpu.memref_slice %arg12[%dma_wait3A_109, %dma_wait3A_110] : memref<10240x128xf32, #tpu.memory_space<vmem_shared>> -> memref<10240x128xf32, #tpu.memory_space<vmem_shared>>
          tpu.wait_indirect_dma semaphore(%run_scoped3A : memref<!tpu.dma_semaphore, #tpu.memory_space<semaphore_mem>>) src(%arg9 : memref<128x128xf32, #tpu.memory_space<vmem>>) dst(%dma_wait3A_111 : memref<10240x128xf32, #tpu.memory_space<vmem_shared>>)
          tpu.yield
        }) : () -> ()
        %scan3A_78 = arith.constant 0 : i32
        %scan3A_79 = arith.constant 8 : i32
        %scan3A_80 = arith.addi %scan3A_78, %scan3A_79 : i32
        %scan3A_81 = arith.constant 1 : i32
        scf.for %scan3A_100 = %scan3A_78 to %scan3A_80 step %scan3A_81  : i32 {
          %mul3A_101 = arith.constant 1 : i32
          %mul3A_102 = arith.muli %scan3A_100, %mul3A_101 : i32
          %add3A_103 = arith.constant 0 : i32
          %add3A_104 = arith.addi %add3A_103, %mul3A_102 : i32
          %mul3A_105 = arith.constant 16 : i32
          %mul3A_106 = arith.muli %add3A_104, %mul3A_105 : i32
          %get3A = arith.index_cast %mul3A_60 : i32 to index
          %get3A_107 = arith.index_cast %mul3A_106 : i32 to index
          %get3A_108 = tpu.vector_load %arg8[%get3A, %get3A_107] {strides = array<i32>} : memref<16x128xi32, #tpu.memory_space<vmem>>, vector<16xi32>,
          tpu.vector_store_idx %arg11[%get3A_108], %broadcast_in_dim3A_3 {add = true} : memref<10240xf32, #tpu.memory_space<vmem>>[vector<16xi32>], vector<16xf32>,
        }
        %scan3A_82 = arith.constant 8 : i32
        %dma_start3A_83 = arith.constant 0 : i32
        %dma_start3A_84 = tpu.memref_slice %arg7[%min3A_65, %dma_start3A_83] : memref<16x128xi32, #tpu.memory_space<vmem>> -> memref<1x128xi32, #tpu.memory_space<vmem>>
        %dma_start3A_85 = tpu.memref_squeeze %dma_start3A_84 : memref<1x128xi32, #tpu.memory_space<vmem>> -> memref<128xi32, #tpu.memory_space<vmem>>
        %dma_start3A_86 = arith.constant 0 : i32
        %dma_start3A_87 = arith.constant 0 : i32
        %dma_start3A_88 = tpu.memref_slice %arg2[%dma_start3A_86, %dma_start3A_87] : memref<10240x128xf32, #tpu.memory_space<hbm>> -> memref<10240x128xf32, #tpu.memory_space<hbm>>
        tpu.enqueue_indirect_dma source(%dma_start3A_88 : memref<10240x128xf32, #tpu.memory_space<hbm>>) target(%arg9 : memref<128x128xf32, #tpu.memory_space<vmem>>) offsets(%dma_start3A_85 : memref<128xi32, #tpu.memory_space<vmem>>) semaphore(%arg13 : memref<!tpu.dma_semaphore, #tpu.memory_space<semaphore_mem>>)
        %dma_wait3A_89 = arith.constant 0 : i32
        %dma_wait3A_90 = tpu.memref_slice %arg7[%add3A_62, %dma_wait3A_89] : memref<16x128xi32, #tpu.memory_space<vmem>> -> memref<1x128xi32, #tpu.memory_space<vmem>>
        %dma_wait3A_91 = tpu.memref_squeeze %dma_wait3A_90 : memref<1x128xi32, #tpu.memory_space<vmem>> -> memref<128xi32, #tpu.memory_space<vmem>>
        %dma_wait3A_92 = arith.constant 0 : i32
        %dma_wait3A_93 = arith.constant 0 : i32
        %dma_wait3A_94 = tpu.memref_slice %arg2[%dma_wait3A_92, %dma_wait3A_93] : memref<10240x128xf32, #tpu.memory_space<hbm>> -> memref<10240x128xf32, #tpu.memory_space<hbm>>
        tpu.wait_indirect_dma semaphore(%arg14 : memref<!tpu.dma_semaphore, #tpu.memory_space<semaphore_mem>>) src(%dma_wait3A_94 : memref<10240x128xf32, #tpu.memory_space<hbm>>) dst(%arg10 : memref<128x128xf32, #tpu.memory_space<vmem>>)
        "tpu.region"() ({
          %run_scoped3A = tpu.sem_alloc : memref<!tpu.dma_semaphore, #tpu.memory_space<semaphore_mem>>
          %dma_start3A_100 = arith.constant 0 : i32
          %dma_start3A_101 = tpu.memref_slice %arg8[%add3A_62, %dma_start3A_100] : memref<16x128xi32, #tpu.memory_space<vmem>> -> memref<1x128xi32, #tpu.memory_space<vmem>>
          %dma_start3A_102 = tpu.memref_squeeze %dma_start3A_101 : memref<1x128xi32, #tpu.memory_space<vmem>> -> memref<128xi32, #tpu.memory_space<vmem>>
          %dma_start3A_103 = arith.constant 0 : i32
          %dma_start3A_104 = arith.constant 0 : i32
          %dma_start3A_105 = tpu.memref_slice %arg12[%dma_start3A_103, %dma_start3A_104] : memref<10240x128xf32, #tpu.memory_space<vmem_shared>> -> memref<10240x128xf32, #tpu.memory_space<vmem_shared>>
          tpu.enqueue_indirect_dma source(%arg10 : memref<128x128xf32, #tpu.memory_space<vmem>>) target(%dma_start3A_105 : memref<10240x128xf32, #tpu.memory_space<vmem_shared>>) offsets(%dma_start3A_102 : memref<128xi32, #tpu.memory_space<vmem>>) semaphore(%run_scoped3A : memref<!tpu.dma_semaphore, #tpu.memory_space<semaphore_mem>>) {add = true}
          %dma_wait3A_106 = arith.constant 0 : i32
          %dma_wait3A_107 = tpu.memref_slice %arg8[%add3A_62, %dma_wait3A_106] : memref<16x128xi32, #tpu.memory_space<vmem>> -> memref<1x128xi32, #tpu.memory_space<vmem>>
          %dma_wait3A_108 = tpu.memref_squeeze %dma_wait3A_107 : memref<1x128xi32, #tpu.memory_space<vmem>> -> memref<128xi32, #tpu.memory_space<vmem>>
          %dma_wait3A_109 = arith.constant 0 : i32
          %dma_wait3A_110 = arith.constant 0 : i32
          %dma_wait3A_111 = tpu.memref_slice %arg12[%dma_wait3A_109, %dma_wait3A_110] : memref<10240x128xf32, #tpu.memory_space<vmem_shared>> -> memref<10240x128xf32, #tpu.memory_space<vmem_shared>>
          tpu.wait_indirect_dma semaphore(%run_scoped3A : memref<!tpu.dma_semaphore, #tpu.memory_space<semaphore_mem>>) src(%arg10 : memref<128x128xf32, #tpu.memory_space<vmem>>) dst(%dma_wait3A_111 : memref<10240x128xf32, #tpu.memory_space<vmem_shared>>)
          tpu.yield
        }) : () -> ()
        %scan3A_95 = arith.constant 0 : i32
        %scan3A_96 = arith.constant 8 : i32
        %scan3A_97 = arith.addi %scan3A_95, %scan3A_96 : i32
        %scan3A_98 = arith.constant 1 : i32
        scf.for %scan3A_100 = %scan3A_95 to %scan3A_97 step %scan3A_98  : i32 {
          %mul3A_101 = arith.constant 1 : i32
          %mul3A_102 = arith.muli %scan3A_100, %mul3A_101 : i32
          %add3A_103 = arith.constant 0 : i32
          %add3A_104 = arith.addi %add3A_103, %mul3A_102 : i32
          %mul3A_105 = arith.constant 16 : i32
          %mul3A_106 = arith.muli %add3A_104, %mul3A_105 : i32
          %get3A = arith.index_cast %add3A_62 : i32 to index
          %get3A_107 = arith.index_cast %mul3A_106 : i32 to index
          %get3A_108 = tpu.vector_load %arg8[%get3A, %get3A_107] {strides = array<i32>} : memref<16x128xi32, #tpu.memory_space<vmem>>, vector<16xi32>,
          tpu.vector_store_idx %arg11[%get3A_108], %broadcast_in_dim3A_3 {add = true} : memref<10240xf32, #tpu.memory_space<vmem>>[vector<16xi32>], vector<16xf32>,
        }
        %scan3A_99 = arith.constant 8 : i32
      }
      %scan3A_47 = arith.constant 8 : i32
      %dma_wait3A = arith.constant 15 : i32
      %dma_wait3A_48 = arith.constant 0 : i32
      %dma_wait3A_49 = tpu.memref_slice %arg7[%dma_wait3A, %dma_wait3A_48] : memref<16x128xi32, #tpu.memory_space<vmem>> -> memref<1x128xi32, #tpu.memory_space<vmem>>
      %dma_wait3A_50 = tpu.memref_squeeze %dma_wait3A_49 : memref<1x128xi32, #tpu.memory_space<vmem>> -> memref<128xi32, #tpu.memory_space<vmem>>
      %dma_wait3A_51 = arith.constant 0 : i32
      %dma_wait3A_52 = arith.constant 0 : i32
      %dma_wait3A_53 = tpu.memref_slice %arg2[%dma_wait3A_51, %dma_wait3A_52] : memref<10240x128xf32, #tpu.memory_space<hbm>> -> memref<10240x128xf32, #tpu.memory_space<hbm>>
      tpu.wait_indirect_dma semaphore(%arg13 : memref<!tpu.dma_semaphore, #tpu.memory_space<semaphore_mem>>) src(%dma_wait3A_53 : memref<10240x128xf32, #tpu.memory_space<hbm>>) dst(%arg9 : memref<128x128xf32, #tpu.memory_space<vmem>>)
    }
    %scan3A_22 = arith.constant 5 : i32
    %barrier3A_23 = arith.constant 0 : index
    tpu.barrier barrier_id(%barrier3A_23)
    %mul3A_24 = arith.constant 640 : i32
    %mul3A_25 = arith.muli %arg1, %mul3A_24 : i32
    %mul3A_26 = arith.constant 640 : i32
    %mul3A_27 = arith.muli %arg1, %mul3A_26 : i32
    "tpu.region"() ({
      %run_scoped3A = tpu.sem_alloc : memref<!tpu.dma_semaphore, #tpu.memory_space<semaphore_mem>>
      %dma_start3A = arith.constant 0 : i32
      %dma_start3A_28 = tpu.memref_slice %arg5[%arg0, %mul3A_27, %dma_start3A] : memref<2x10240x128xf32, #tpu.memory_space<hbm>> -> memref<1x640x128xf32, #tpu.memory_space<hbm>>
      %dma_start3A_29 = tpu.memref_squeeze %dma_start3A_28 : memref<1x640x128xf32, #tpu.memory_space<hbm>> -> memref<640x128xf32, #tpu.memory_space<hbm>>
      %dma_start3A_30 = arith.constant 0 : i32
      %dma_start3A_31 = tpu.memref_slice %arg12[%mul3A_25, %dma_start3A_30] : memref<10240x128xf32, #tpu.memory_space<vmem_shared>> -> memref<640x128xf32, #tpu.memory_space<vmem_shared>>
      tpu.enqueue_dma source(%dma_start3A_31 : memref<640x128xf32, #tpu.memory_space<vmem_shared>>) target(%dma_start3A_29 : memref<640x128xf32, #tpu.memory_space<hbm>>) target_semaphore(%run_scoped3A : memref<!tpu.dma_semaphore, #tpu.memory_space<semaphore_mem>>)
      %dma_wait3A = arith.constant 0 : i32
      %dma_wait3A_32 = tpu.memref_slice %arg5[%arg0, %mul3A_27, %dma_wait3A] : memref<2x10240x128xf32, #tpu.memory_space<hbm>> -> memref<1x640x128xf32, #tpu.memory_space<hbm>>
      %dma_wait3A_33 = tpu.memref_squeeze %dma_wait3A_32 : memref<1x640x128xf32, #tpu.memory_space<hbm>> -> memref<640x128xf32, #tpu.memory_space<hbm>>
      %dma_wait3A_34 = arith.constant 0 : i32
      %dma_wait3A_35 = tpu.memref_slice %arg12[%mul3A_25, %dma_wait3A_34] : memref<10240x128xf32, #tpu.memory_space<vmem_shared>> -> memref<640x128xf32, #tpu.memory_space<vmem_shared>>
      tpu.wait_dma2 semaphore(%run_scoped3A : memref<!tpu.dma_semaphore, #tpu.memory_space<semaphore_mem>>) src(%dma_wait3A_35 : memref<640x128xf32, #tpu.memory_space<vmem_shared>>) dst(%dma_wait3A_33 : memref<640x128xf32, #tpu.memory_space<hbm>>)
      tpu.yield
    }) : () -> ()
    "tpu.region"() ({
      %run_scoped3A = tpu.sem_alloc : memref<!tpu.dma_semaphore, #tpu.memory_space<semaphore_mem>>
      %dma_start3A = arith.constant 0 : i32
      %dma_start3A_28 = tpu.memref_slice %arg6[%add3A, %dma_start3A] : memref<32x10240xf32, #tpu.memory_space<hbm>> -> memref<1x10240xf32, #tpu.memory_space<hbm>>
      %dma_start3A_29 = tpu.memref_squeeze %dma_start3A_28 : memref<1x10240xf32, #tpu.memory_space<hbm>> -> memref<10240xf32, #tpu.memory_space<hbm>>
      %dma_start3A_30 = arith.constant 0 : i32
      %dma_start3A_31 = tpu.memref_slice %arg6[%add3A, %dma_start3A_30] : memref<32x10240xf32, #tpu.memory_space<hbm>> -> memref<1x10240xf32, #tpu.memory_space<hbm>>
      %dma_start3A_32 = tpu.memref_squeeze %dma_start3A_31 : memref<1x10240xf32, #tpu.memory_space<hbm>> -> memref<10240xf32, #tpu.memory_space<hbm>>
      tpu.enqueue_dma source(%arg11 : memref<10240xf32, #tpu.memory_space<vmem>>) target(%dma_start3A_32 : memref<10240xf32, #tpu.memory_space<hbm>>) target_semaphore(%run_scoped3A : memref<!tpu.dma_semaphore, #tpu.memory_space<semaphore_mem>>)
      %dma_wait3A = arith.constant 0 : i32
      %dma_wait3A_33 = tpu.memref_slice %arg6[%add3A, %dma_wait3A] : memref<32x10240xf32, #tpu.memory_space<hbm>> -> memref<1x10240xf32, #tpu.memory_space<hbm>>
      %dma_wait3A_34 = tpu.memref_squeeze %dma_wait3A_33 : memref<1x10240xf32, #tpu.memory_space<hbm>> -> memref<10240xf32, #tpu.memory_space<hbm>>
      %dma_wait3A_35 = arith.constant 0 : i32
      %dma_wait3A_36 = tpu.memref_slice %arg6[%add3A, %dma_wait3A_35] : memref<32x10240xf32, #tpu.memory_space<hbm>> -> memref<1x10240xf32, #tpu.memory_space<hbm>>
      %dma_wait3A_37 = tpu.memref_squeeze %dma_wait3A_36 : memref<1x10240xf32, #tpu.memory_space<hbm>> -> memref<10240xf32, #tpu.memory_space<hbm>>
      tpu.wait_dma2 semaphore(%run_scoped3A : memref<!tpu.dma_semaphore, #tpu.memory_space<semaphore_mem>>) src(%arg11 : memref<10240xf32, #tpu.memory_space<vmem>>) dst(%dma_wait3A_37 : memref<10240xf32, #tpu.memory_space<hbm>>)
      tpu.yield
    }) : () -> ()
    return
  }
}

module attributes {stable_mosaic.version = 14 : i64} {
  func.func @_tc1_body(%arg0: memref<10000x128xf32, #tpu.memory_space<vmem>>, %arg1: memref<10x128xf32, #tpu.memory_space<vmem>>, %arg2: memref<128x128xf32, #tpu.memory_space<vmem>>, %arg3: memref<1x128xf32, #tpu.memory_space<vmem>>, %arg4: memref<1x128xf32, #tpu.memory_space<vmem>>, %arg5: memref<1x128xf32, #tpu.memory_space<vmem>>, %arg6: memref<10x128xf32, #tpu.memory_space<vmem>>, %arg7: memref<10240x128xf32, #tpu.memory_space<vmem>>) attributes {dimension_semantics = [], scalar_prefetch = 0 : i64, scratch_operands = 0 : i64, tpu.core_type = #tpu.core_type<tc>} {
    %get3A = arith.constant 0 : index
    %get3A_0 = arith.constant 0 : index
    %get3A_1 = vector.load %arg0[%get3A, %get3A_0] : memref<10000x128xf32, #tpu.memory_space<vmem>>, vector<10000x128xf32>
    %get3A_2 = arith.constant 0 : index
    %get3A_3 = arith.constant 0 : index
    %get3A_4 = vector.load %arg2[%get3A_2, %get3A_3] : memref<128x128xf32, #tpu.memory_space<vmem>>, vector<128x128xf32>
    %dot_general3A = arith.constant dense<0.000000e+00> : vector<10000x128xf32>
    %dot_general3A_5 = tpu.matmul %get3A_1, %get3A_4, %dot_general3A {dimension_numbers = #tpu.dot_dimension_numbers<[1], [0], [0], [1], [0, 0, 1, 1], [], []>, transpose_lhs_hint = false} : vector<10000x128xf32>, vector<128x128xf32>, vector<10000x128xf32> -> vector<10000x128xf32>
    %get3A_6 = arith.constant 0 : index
    %get3A_7 = arith.constant 0 : index
    %get3A_8 = vector.load %arg3[%get3A_6, %get3A_7] : memref<1x128xf32, #tpu.memory_space<vmem>>, vector<1x128xf32>
    %add3A = vector.broadcast %get3A_8 : vector<1x128xf32> to vector<10000x128xf32>
    %add3A_9 = arith.addf %dot_general3A_5, %add3A : vector<10000x128xf32>
    %reduce_sum3A = arith.constant dense<0.000000e+00> : vector<10000xf32>
    %reduce_sum3A_10 = vector.multi_reduction <add>, %add3A_9, %reduce_sum3A [1] : vector<10000x128xf32> to vector<10000xf32>
    %broadcast_in_dim3A = vector.shape_cast %reduce_sum3A_10 : vector<10000xf32> to vector<10000x1xf32>
    %div3A = arith.constant 1.280000e+02 : f32
    %div3A_11 = vector.broadcast %div3A : f32 to vector<10000x1xf32>
    %div3A_12 = arith.divf %broadcast_in_dim3A, %div3A_11 : vector<10000x1xf32>
    %sub3A = vector.broadcast %div3A_12 : vector<10000x1xf32> to vector<10000x128xf32>
    %sub3A_13 = arith.subf %add3A_9, %sub3A : vector<10000x128xf32>
    %integer_pow3A = arith.mulf %sub3A_13, %sub3A_13 : vector<10000x128xf32>
    %reduce_sum3A_14 = arith.constant dense<0.000000e+00> : vector<10000xf32>
    %reduce_sum3A_15 = vector.multi_reduction <add>, %integer_pow3A, %reduce_sum3A_14 [1] : vector<10000x128xf32> to vector<10000xf32>
    %broadcast_in_dim3A_16 = vector.shape_cast %reduce_sum3A_15 : vector<10000xf32> to vector<10000x1xf32>
    %div3A_17 = arith.constant 1.280000e+02 : f32
    %div3A_18 = vector.broadcast %div3A_17 : f32 to vector<10000x1xf32>
    %div3A_19 = arith.divf %broadcast_in_dim3A_16, %div3A_18 : vector<10000x1xf32>
    %sub3A_20 = vector.broadcast %div3A_12 : vector<10000x1xf32> to vector<10000x128xf32>
    %sub3A_21 = arith.subf %add3A_9, %sub3A_20 : vector<10000x128xf32>
    %add3A_22 = arith.constant 9.99999974E-6 : f32
    %add3A_23 = vector.broadcast %add3A_22 : f32 to vector<10000x1xf32>
    %add3A_24 = arith.addf %div3A_19, %add3A_23 : vector<10000x1xf32>
    %sqrt3A = math.sqrt %add3A_24 : vector<10000x1xf32>
    %div3A_25 = vector.broadcast %sqrt3A : vector<10000x1xf32> to vector<10000x128xf32>
    %div3A_26 = arith.divf %sub3A_21, %div3A_25 : vector<10000x128xf32>
    %get3A_27 = arith.constant 0 : index
    %get3A_28 = arith.constant 0 : index
    %get3A_29 = vector.load %arg4[%get3A_27, %get3A_28] : memref<1x128xf32, #tpu.memory_space<vmem>>, vector<1x128xf32>
    %mul3A = vector.broadcast %get3A_29 : vector<1x128xf32> to vector<10000x128xf32>
    %mul3A_30 = arith.mulf %div3A_26, %mul3A : vector<10000x128xf32>
    %get3A_31 = arith.constant 0 : index
    %get3A_32 = arith.constant 0 : index
    %get3A_33 = vector.load %arg5[%get3A_31, %get3A_32] : memref<1x128xf32, #tpu.memory_space<vmem>>, vector<1x128xf32>
    %add3A_34 = vector.broadcast %get3A_33 : vector<1x128xf32> to vector<10000x128xf32>
    %add3A_35 = arith.addf %mul3A_30, %add3A_34 : vector<10000x128xf32>
    %gt3A = arith.constant 0.000000e+00 : f32
    %gt3A_36 = vector.broadcast %gt3A : f32 to vector<10000x128xf32>
    %gt3A_37 = arith.cmpf ogt, %add3A_35, %gt3A_36 : vector<10000x128xf32>
    %min3A = arith.constant 0.000000e+00 : f32
    %min3A_38 = vector.broadcast %min3A : f32 to vector<10000x128xf32>
    %min3A_39 = arith.minimumf %add3A_35, %min3A_38 : vector<10000x128xf32>
    %exp3A = math.exp %min3A_39 : vector<10000x128xf32>
    %sub3A_40 = arith.constant 1.000000e+00 : f32
    %sub3A_41 = vector.broadcast %sub3A_40 : f32 to vector<10000x128xf32>
    %sub3A_42 = arith.subf %exp3A, %sub3A_41 : vector<10000x128xf32>
    %select_n3A = arith.select %gt3A_37, %add3A_35, %sub3A_42 : vector<10000x128xi1>, vector<10000x128xf32>
    %get3A_43 = arith.constant 0 : index
    %get3A_44 = arith.constant 0 : index
    %get3A_45 = vector.load %arg1[%get3A_43, %get3A_44] : memref<10x128xf32, #tpu.memory_space<vmem>>, vector<10x128xf32>
    %get3A_46 = arith.constant 0 : index
    %get3A_47 = arith.constant 0 : index
    %get3A_48 = vector.load %arg2[%get3A_46, %get3A_47] : memref<128x128xf32, #tpu.memory_space<vmem>>, vector<128x128xf32>
    %dot_general3A_49 = arith.constant dense<0.000000e+00> : vector<10x128xf32>
    %dot_general3A_50 = tpu.matmul %get3A_45, %get3A_48, %dot_general3A_49 {dimension_numbers = #tpu.dot_dimension_numbers<[1], [0], [0], [1], [0, 0, 1, 1], [], []>, transpose_lhs_hint = false} : vector<10x128xf32>, vector<128x128xf32>, vector<10x128xf32> -> vector<10x128xf32>
    %get3A_51 = arith.constant 0 : index
    %get3A_52 = arith.constant 0 : index
    %get3A_53 = vector.load %arg3[%get3A_51, %get3A_52] : memref<1x128xf32, #tpu.memory_space<vmem>>, vector<1x128xf32>
    %add3A_54 = vector.broadcast %get3A_53 : vector<1x128xf32> to vector<10x128xf32>
    %add3A_55 = arith.addf %dot_general3A_50, %add3A_54 : vector<10x128xf32>
    %reduce_sum3A_56 = arith.constant dense<0.000000e+00> : vector<10xf32>
    %reduce_sum3A_57 = vector.multi_reduction <add>, %add3A_55, %reduce_sum3A_56 [1] : vector<10x128xf32> to vector<10xf32>
    %broadcast_in_dim3A_58 = vector.shape_cast %reduce_sum3A_57 : vector<10xf32> to vector<10x1xf32>
    %div3A_59 = arith.constant 1.280000e+02 : f32
    %div3A_60 = vector.broadcast %div3A_59 : f32 to vector<10x1xf32>
    %div3A_61 = arith.divf %broadcast_in_dim3A_58, %div3A_60 : vector<10x1xf32>
    %sub3A_62 = vector.broadcast %div3A_61 : vector<10x1xf32> to vector<10x128xf32>
    %sub3A_63 = arith.subf %add3A_55, %sub3A_62 : vector<10x128xf32>
    %integer_pow3A_64 = arith.mulf %sub3A_63, %sub3A_63 : vector<10x128xf32>
    %reduce_sum3A_65 = arith.constant dense<0.000000e+00> : vector<10xf32>
    %reduce_sum3A_66 = vector.multi_reduction <add>, %integer_pow3A_64, %reduce_sum3A_65 [1] : vector<10x128xf32> to vector<10xf32>
    %broadcast_in_dim3A_67 = vector.shape_cast %reduce_sum3A_66 : vector<10xf32> to vector<10x1xf32>
    %div3A_68 = arith.constant 1.280000e+02 : f32
    %div3A_69 = vector.broadcast %div3A_68 : f32 to vector<10x1xf32>
    %div3A_70 = arith.divf %broadcast_in_dim3A_67, %div3A_69 : vector<10x1xf32>
    %sub3A_71 = vector.broadcast %div3A_61 : vector<10x1xf32> to vector<10x128xf32>
    %sub3A_72 = arith.subf %add3A_55, %sub3A_71 : vector<10x128xf32>
    %add3A_73 = arith.constant 9.99999974E-6 : f32
    %add3A_74 = vector.broadcast %add3A_73 : f32 to vector<10x1xf32>
    %add3A_75 = arith.addf %div3A_70, %add3A_74 : vector<10x1xf32>
    %sqrt3A_76 = math.sqrt %add3A_75 : vector<10x1xf32>
    %div3A_77 = vector.broadcast %sqrt3A_76 : vector<10x1xf32> to vector<10x128xf32>
    %div3A_78 = arith.divf %sub3A_72, %div3A_77 : vector<10x128xf32>
    %get3A_79 = arith.constant 0 : index
    %get3A_80 = arith.constant 0 : index
    %get3A_81 = vector.load %arg4[%get3A_79, %get3A_80] : memref<1x128xf32, #tpu.memory_space<vmem>>, vector<1x128xf32>
    %mul3A_82 = vector.broadcast %get3A_81 : vector<1x128xf32> to vector<10x128xf32>
    %mul3A_83 = arith.mulf %div3A_78, %mul3A_82 : vector<10x128xf32>
    %get3A_84 = arith.constant 0 : index
    %get3A_85 = arith.constant 0 : index
    %get3A_86 = vector.load %arg5[%get3A_84, %get3A_85] : memref<1x128xf32, #tpu.memory_space<vmem>>, vector<1x128xf32>
    %add3A_87 = vector.broadcast %get3A_86 : vector<1x128xf32> to vector<10x128xf32>
    %add3A_88 = arith.addf %mul3A_83, %add3A_87 : vector<10x128xf32>
    %gt3A_89 = arith.constant 0.000000e+00 : f32
    %gt3A_90 = vector.broadcast %gt3A_89 : f32 to vector<10x128xf32>
    %gt3A_91 = arith.cmpf ogt, %add3A_88, %gt3A_90 : vector<10x128xf32>
    %min3A_92 = arith.constant 0.000000e+00 : f32
    %min3A_93 = vector.broadcast %min3A_92 : f32 to vector<10x128xf32>
    %min3A_94 = arith.minimumf %add3A_88, %min3A_93 : vector<10x128xf32>
    %exp3A_95 = math.exp %min3A_94 : vector<10x128xf32>
    %sub3A_96 = arith.constant 1.000000e+00 : f32
    %sub3A_97 = vector.broadcast %sub3A_96 : f32 to vector<10x128xf32>
    %sub3A_98 = arith.subf %exp3A_95, %sub3A_97 : vector<10x128xf32>
    %select_n3A_99 = arith.select %gt3A_91, %add3A_88, %sub3A_98 : vector<10x128xi1>, vector<10x128xf32>
    %get3A_100 = arith.constant 0 : index
    %get3A_101 = arith.constant 0 : index
    %get3A_102 = vector.load %arg6[%get3A_100, %get3A_101] : memref<10x128xf32, #tpu.memory_space<vmem>>, vector<10x128xf32>
    %add3A_103 = arith.addf %select_n3A_99, %get3A_102 : vector<10x128xf32>
    %swap3A = arith.constant 0 : index
    %swap3A_104 = arith.constant 0 : index
    %swap3A_105 = vector.load %arg7[%swap3A, %swap3A_104] : memref<10240x128xf32, #tpu.memory_space<vmem>>, vector<10000x128xf32>
    tpu.vector_store %arg7[%swap3A, %swap3A_104], %select_n3A {strides = array<i32>} : memref<10240x128xf32, #tpu.memory_space<vmem>>, vector<10000x128xf32>,
    %broadcast_in_dim3A_106 = arith.constant 0.000000e+00 : f32
    %broadcast_in_dim3A_107 = vector.broadcast %broadcast_in_dim3A_106 : f32 to vector<230x128xf32>
    %concatenate3A = tpu.concatenate %add3A_103, %broadcast_in_dim3A_107 in 0 : vector<10x128xf32>, vector<230x128xf32> -> vector<240x128xf32>
    %swap3A_108 = arith.constant 10000 : index
    %swap3A_109 = arith.constant 0 : index
    %swap3A_110 = vector.load %arg7[%swap3A_108, %swap3A_109] : memref<10240x128xf32, #tpu.memory_space<vmem>>, vector<240x128xf32>
    tpu.vector_store %arg7[%swap3A_108, %swap3A_109], %concatenate3A {strides = array<i32>} : memref<10240x128xf32, #tpu.memory_space<vmem>>, vector<240x128xf32>,
    return
  }
}

module attributes {stable_mosaic.version = 14 : i64} {
  func.func @_tc2_body(%arg0: memref<10240x128xf32, #tpu.memory_space<vmem>>, %arg1: memref<2x10240x128xf32, #tpu.memory_space<vmem>>, %arg2: memref<32x10240xf32, #tpu.memory_space<vmem>>, %arg3: memref<10240x1xi32, #tpu.memory_space<vmem>>, %arg4: memref<128x128xf32, #tpu.memory_space<vmem>>, %arg5: memref<128x128xf32, #tpu.memory_space<vmem>>, %arg6: memref<128x128xf32, #tpu.memory_space<vmem>>, %arg7: memref<128x128xf32, #tpu.memory_space<vmem>>, %arg8: memref<1x128xf32, #tpu.memory_space<vmem>>, %arg9: memref<1x128xf32, #tpu.memory_space<vmem>>, %arg10: memref<1x128xf32, #tpu.memory_space<vmem>>, %arg11: memref<128x128xf32, #tpu.memory_space<vmem>>, %arg12: memref<1x128xf32, #tpu.memory_space<vmem>>, %arg13: memref<10x128xf32, #tpu.memory_space<vmem>>, %arg14: memref<10000x128xf32, #tpu.memory_space<vmem>>) attributes {dimension_semantics = [], scalar_prefetch = 0 : i64, scratch_operands = 0 : i64, tpu.core_type = #tpu.core_type<tc>} {
    %get3A = arith.constant 0 : index
    %get3A_0 = arith.constant 0 : index
    %get3A_1 = vector.load %arg0[%get3A, %get3A_0] : memref<10240x128xf32, #tpu.memory_space<vmem>>, vector<10240x128xf32>
    %get3A_2 = arith.constant 0 : index
    %get3A_3 = arith.constant 0 : index
    %get3A_4 = arith.constant 0 : index
    %get3A_5 = vector.load %arg1[%get3A_2, %get3A_3, %get3A_4] : memref<2x10240x128xf32, #tpu.memory_space<vmem>>, vector<1x10240x128xf32>
    %get3A_6 = vector.shape_cast %get3A_5 : vector<1x10240x128xf32> to vector<10240x128xf32>
    %get3A_7 = arith.constant 1 : index
    %get3A_8 = arith.constant 0 : index
    %get3A_9 = arith.constant 0 : index
    %get3A_10 = vector.load %arg1[%get3A_7, %get3A_8, %get3A_9] : memref<2x10240x128xf32, #tpu.memory_space<vmem>>, vector<1x10240x128xf32>
    %get3A_11 = vector.shape_cast %get3A_10 : vector<1x10240x128xf32> to vector<10240x128xf32>
    %add3A = arith.addf %get3A_6, %get3A_11 : vector<10240x128xf32>
    %broadcast_in_dim3A = arith.constant 1.000000e+00 : f32
    %broadcast_in_dim3A_12 = vector.broadcast %broadcast_in_dim3A : f32 to vector<32x1xf32>
    %get3A_13 = arith.constant 0 : index
    %get3A_14 = arith.constant 0 : index
    %get3A_15 = vector.load %arg2[%get3A_13, %get3A_14] : memref<32x10240xf32, #tpu.memory_space<vmem>>, vector<32x10240xf32>
    %dot_general3A = arith.constant dense<0.000000e+00> : vector<10240x1xf32>
    %dot_general3A_16 = tpu.matmul %get3A_15, %broadcast_in_dim3A_12, %dot_general3A {dimension_numbers = #tpu.dot_dimension_numbers<[0], [0], [1], [1], [0, 1, 1, 1], [], []>, transpose_lhs_hint = false} : vector<32x10240xf32>, vector<32x1xf32>, vector<10240x1xf32> -> vector<10240x1xf32>
    %max3A = arith.constant 1.000000e+00 : f32
    %max3A_17 = vector.broadcast %max3A : f32 to vector<10240x1xf32>
    %max3A_18 = arith.maximumf %dot_general3A_16, %max3A_17 : vector<10240x1xf32>
    %div3A = vector.broadcast %max3A_18 : vector<10240x1xf32> to vector<10240x128xf32>
    %div3A_19 = arith.divf %add3A, %div3A : vector<10240x128xf32>
    %get3A_20 = arith.constant 0 : index
    %get3A_21 = arith.constant 0 : index
    %get3A_22 = vector.load %arg4[%get3A_20, %get3A_21] : memref<128x128xf32, #tpu.memory_space<vmem>>, vector<128x128xf32>
    %dot_general3A_23 = arith.constant dense<0.000000e+00> : vector<10240x128xf32>
    %dot_general3A_24 = tpu.matmul %get3A_1, %get3A_22, %dot_general3A_23 {dimension_numbers = #tpu.dot_dimension_numbers<[1], [0], [0], [1], [0, 0, 1, 1], [], []>, transpose_lhs_hint = false} : vector<10240x128xf32>, vector<128x128xf32>, vector<10240x128xf32> -> vector<10240x128xf32>
    %get3A_25 = arith.constant 0 : index
    %get3A_26 = arith.constant 0 : index
    %get3A_27 = vector.load %arg5[%get3A_25, %get3A_26] : memref<128x128xf32, #tpu.memory_space<vmem>>, vector<128x128xf32>
    %dot_general3A_28 = arith.constant dense<0.000000e+00> : vector<10240x128xf32>
    %dot_general3A_29 = tpu.matmul %div3A_19, %get3A_27, %dot_general3A_28 {dimension_numbers = #tpu.dot_dimension_numbers<[1], [0], [0], [1], [0, 0, 1, 1], [], []>, transpose_lhs_hint = false} : vector<10240x128xf32>, vector<128x128xf32>, vector<10240x128xf32> -> vector<10240x128xf32>
    %add3A_30 = arith.addf %dot_general3A_24, %dot_general3A_29 : vector<10240x128xf32>
    %get3A_31 = arith.constant 0 : index
    %get3A_32 = arith.constant 0 : index
    %get3A_33 = vector.load %arg13[%get3A_31, %get3A_32] : memref<10x128xf32, #tpu.memory_space<vmem>>, vector<10x128xf32>
    %broadcast_in_dim3A_34 = arith.constant 0.000000e+00 : f32
    %broadcast_in_dim3A_35 = vector.broadcast %broadcast_in_dim3A_34 : f32 to vector<6x128xf32>
    %concatenate3A = tpu.concatenate %get3A_33, %broadcast_in_dim3A_35 in 0 : vector<10x128xf32>, vector<6x128xf32> -> vector<16x128xf32>
    %iota3A = tpu.iota {dimensions = array<i32: 0>} : vector<10240x16xi32>
    %iota3A_36 = tpu.iota {dimensions = array<i32: 1>} : vector<10240x16xi32>
    %sub3A = arith.constant 10000 : i32
    %sub3A_37 = vector.broadcast %sub3A : i32 to vector<10240x16xi32>
    %sub3A_38 = arith.subi %iota3A, %sub3A_37 : vector<10240x16xi32>
    %eq3A = arith.cmpi eq, %sub3A_38, %iota3A_36 : vector<10240x16xi32>
    %convert_element_type3A = arith.extui %eq3A : vector<10240x16xi1> to vector<10240x16xi32>
    %convert_element_type3A_39 = arith.sitofp %convert_element_type3A : vector<10240x16xi32> to vector<10240x16xf32>
    %gt3A = arith.constant 0.000000e+00 : f32
    %gt3A_40 = vector.broadcast %gt3A : f32 to vector<10240x128xf32>
    %gt3A_41 = arith.cmpf ogt, %add3A_30, %gt3A_40 : vector<10240x128xf32>
    %min3A = arith.constant 0.000000e+00 : f32
    %min3A_42 = vector.broadcast %min3A : f32 to vector<10240x128xf32>
    %min3A_43 = arith.minimumf %add3A_30, %min3A_42 : vector<10240x128xf32>
    %exp3A = math.exp %min3A_43 : vector<10240x128xf32>
    %sub3A_44 = arith.constant 1.000000e+00 : f32
    %sub3A_45 = vector.broadcast %sub3A_44 : f32 to vector<10240x128xf32>
    %sub3A_46 = arith.subf %exp3A, %sub3A_45 : vector<10240x128xf32>
    %select_n3A = arith.select %gt3A_41, %add3A_30, %sub3A_46 : vector<10240x128xi1>, vector<10240x128xf32>
    %dot_general3A_47 = arith.constant dense<0.000000e+00> : vector<10240x128xf32>
    %dot_general3A_48 = tpu.matmul %convert_element_type3A_39, %concatenate3A, %dot_general3A_47 {dimension_numbers = #tpu.dot_dimension_numbers<[1], [0], [0], [1], [0, 0, 1, 1], [], []>, transpose_lhs_hint = false} : vector<10240x16xf32>, vector<16x128xf32>, vector<10240x128xf32> -> vector<10240x128xf32>
    %add3A_49 = arith.addf %select_n3A, %dot_general3A_48 : vector<10240x128xf32>
    %slice3A = vector.extract_strided_slice %add3A_49 {offsets = [10000, 0], sizes = [16, 128], strides = [1, 1]} : vector<10240x128xf32> to vector<16x128xf32>
    %get3A_50 = arith.constant 0 : index
    %get3A_51 = arith.constant 0 : index
    %get3A_52 = vector.load %arg7[%get3A_50, %get3A_51] : memref<128x128xf32, #tpu.memory_space<vmem>>, vector<128x128xf32>
    %dot_general3A_53 = arith.constant dense<0.000000e+00> : vector<16x128xf32>
    %dot_general3A_54 = tpu.matmul %slice3A, %get3A_52, %dot_general3A_53 {dimension_numbers = #tpu.dot_dimension_numbers<[1], [0], [0], [1], [0, 0, 1, 1], [], []>, transpose_lhs_hint = false} : vector<16x128xf32>, vector<128x128xf32>, vector<16x128xf32> -> vector<16x128xf32>
    %get3A_55 = arith.constant 0 : index
    %get3A_56 = arith.constant 0 : index
    %get3A_57 = vector.load %arg3[%get3A_55, %get3A_56] : memref<10240x1xi32, #tpu.memory_space<vmem>>, vector<10240x1xi32>
    %iota3A_58 = tpu.iota {dimensions = array<i32: 1>} : vector<10240x16xi32>
    %eq3A_59 = vector.broadcast %get3A_57 : vector<10240x1xi32> to vector<10240x16xi32>
    %eq3A_60 = arith.cmpi eq, %eq3A_59, %iota3A_58 : vector<10240x16xi32>
    %convert_element_type3A_61 = arith.extui %eq3A_60 : vector<10240x16xi1> to vector<10240x16xi32>
    %convert_element_type3A_62 = arith.sitofp %convert_element_type3A_61 : vector<10240x16xi32> to vector<10240x16xf32>
    %dot_general3A_63 = arith.constant dense<0.000000e+00> : vector<10240x128xf32>
    %dot_general3A_64 = tpu.matmul %convert_element_type3A_62, %dot_general3A_54, %dot_general3A_63 {dimension_numbers = #tpu.dot_dimension_numbers<[1], [0], [0], [1], [0, 0, 1, 1], [], []>, transpose_lhs_hint = false} : vector<10240x16xf32>, vector<16x128xf32>, vector<10240x128xf32> -> vector<10240x128xf32>
    %get3A_65 = arith.constant 0 : index
    %get3A_66 = arith.constant 0 : index
    %get3A_67 = vector.load %arg6[%get3A_65, %get3A_66] : memref<128x128xf32, #tpu.memory_space<vmem>>, vector<128x128xf32>
    %dot_general3A_68 = arith.constant dense<0.000000e+00> : vector<10240x128xf32>
    %dot_general3A_69 = tpu.matmul %add3A_49, %get3A_67, %dot_general3A_68 {dimension_numbers = #tpu.dot_dimension_numbers<[1], [0], [0], [1], [0, 0, 1, 1], [], []>, transpose_lhs_hint = false} : vector<10240x128xf32>, vector<128x128xf32>, vector<10240x128xf32> -> vector<10240x128xf32>
    %add3A_70 = arith.addf %dot_general3A_69, %dot_general3A_64 : vector<10240x128xf32>
    %get3A_71 = arith.constant 0 : index
    %get3A_72 = arith.constant 0 : index
    %get3A_73 = vector.load %arg8[%get3A_71, %get3A_72] : memref<1x128xf32, #tpu.memory_space<vmem>>, vector<1x128xf32>
    %add3A_74 = vector.broadcast %get3A_73 : vector<1x128xf32> to vector<10240x128xf32>
    %add3A_75 = arith.addf %add3A_70, %add3A_74 : vector<10240x128xf32>
    %reduce_sum3A = arith.constant dense<0.000000e+00> : vector<10240xf32>
    %reduce_sum3A_76 = vector.multi_reduction <add>, %add3A_75, %reduce_sum3A [1] : vector<10240x128xf32> to vector<10240xf32>
    %broadcast_in_dim3A_77 = vector.shape_cast %reduce_sum3A_76 : vector<10240xf32> to vector<10240x1xf32>
    %div3A_78 = arith.constant 1.280000e+02 : f32
    %div3A_79 = vector.broadcast %div3A_78 : f32 to vector<10240x1xf32>
    %div3A_80 = arith.divf %broadcast_in_dim3A_77, %div3A_79 : vector<10240x1xf32>
    %sub3A_81 = vector.broadcast %div3A_80 : vector<10240x1xf32> to vector<10240x128xf32>
    %sub3A_82 = arith.subf %add3A_75, %sub3A_81 : vector<10240x128xf32>
    %integer_pow3A = arith.mulf %sub3A_82, %sub3A_82 : vector<10240x128xf32>
    %reduce_sum3A_83 = arith.constant dense<0.000000e+00> : vector<10240xf32>
    %reduce_sum3A_84 = vector.multi_reduction <add>, %integer_pow3A, %reduce_sum3A_83 [1] : vector<10240x128xf32> to vector<10240xf32>
    %broadcast_in_dim3A_85 = vector.shape_cast %reduce_sum3A_84 : vector<10240xf32> to vector<10240x1xf32>
    %div3A_86 = arith.constant 1.280000e+02 : f32
    %div3A_87 = vector.broadcast %div3A_86 : f32 to vector<10240x1xf32>
    %div3A_88 = arith.divf %broadcast_in_dim3A_85, %div3A_87 : vector<10240x1xf32>
    %sub3A_89 = vector.broadcast %div3A_80 : vector<10240x1xf32> to vector<10240x128xf32>
    %sub3A_90 = arith.subf %add3A_75, %sub3A_89 : vector<10240x128xf32>
    %add3A_91 = arith.constant 9.99999974E-6 : f32
    %add3A_92 = vector.broadcast %add3A_91 : f32 to vector<10240x1xf32>
    %add3A_93 = arith.addf %div3A_88, %add3A_92 : vector<10240x1xf32>
    %sqrt3A = math.sqrt %add3A_93 : vector<10240x1xf32>
    %div3A_94 = vector.broadcast %sqrt3A : vector<10240x1xf32> to vector<10240x128xf32>
    %div3A_95 = arith.divf %sub3A_90, %div3A_94 : vector<10240x128xf32>
    %get3A_96 = arith.constant 0 : index
    %get3A_97 = arith.constant 0 : index
    %get3A_98 = vector.load %arg9[%get3A_96, %get3A_97] : memref<1x128xf32, #tpu.memory_space<vmem>>, vector<1x128xf32>
    %mul3A = vector.broadcast %get3A_98 : vector<1x128xf32> to vector<10240x128xf32>
    %mul3A_99 = arith.mulf %div3A_95, %mul3A : vector<10240x128xf32>
    %get3A_100 = arith.constant 0 : index
    %get3A_101 = arith.constant 0 : index
    %get3A_102 = vector.load %arg10[%get3A_100, %get3A_101] : memref<1x128xf32, #tpu.memory_space<vmem>>, vector<1x128xf32>
    %add3A_103 = vector.broadcast %get3A_102 : vector<1x128xf32> to vector<10240x128xf32>
    %add3A_104 = arith.addf %mul3A_99, %add3A_103 : vector<10240x128xf32>
    %gt3A_105 = arith.constant 0.000000e+00 : f32
    %gt3A_106 = vector.broadcast %gt3A_105 : f32 to vector<10240x128xf32>
    %gt3A_107 = arith.cmpf ogt, %add3A_104, %gt3A_106 : vector<10240x128xf32>
    %min3A_108 = arith.constant 0.000000e+00 : f32
    %min3A_109 = vector.broadcast %min3A_108 : f32 to vector<10240x128xf32>
    %min3A_110 = arith.minimumf %add3A_104, %min3A_109 : vector<10240x128xf32>
    %exp3A_111 = math.exp %min3A_110 : vector<10240x128xf32>
    %sub3A_112 = arith.constant 1.000000e+00 : f32
    %sub3A_113 = vector.broadcast %sub3A_112 : f32 to vector<10240x128xf32>
    %sub3A_114 = arith.subf %exp3A_111, %sub3A_113 : vector<10240x128xf32>
    %select_n3A_115 = arith.select %gt3A_107, %add3A_104, %sub3A_114 : vector<10240x128xi1>, vector<10240x128xf32>
    %get3A_116 = arith.constant 0 : index
    %get3A_117 = arith.constant 0 : index
    %get3A_118 = vector.load %arg11[%get3A_116, %get3A_117] : memref<128x128xf32, #tpu.memory_space<vmem>>, vector<128x128xf32>
    %dot_general3A_119 = arith.constant dense<0.000000e+00> : vector<10240x128xf32>
    %dot_general3A_120 = tpu.matmul %select_n3A_115, %get3A_118, %dot_general3A_119 {dimension_numbers = #tpu.dot_dimension_numbers<[1], [0], [0], [1], [0, 0, 1, 1], [], []>, transpose_lhs_hint = false} : vector<10240x128xf32>, vector<128x128xf32>, vector<10240x128xf32> -> vector<10240x128xf32>
    %get3A_121 = arith.constant 0 : index
    %get3A_122 = arith.constant 0 : index
    %get3A_123 = vector.load %arg12[%get3A_121, %get3A_122] : memref<1x128xf32, #tpu.memory_space<vmem>>, vector<1x128xf32>
    %add3A_124 = vector.broadcast %get3A_123 : vector<1x128xf32> to vector<10240x128xf32>
    %add3A_125 = arith.addf %dot_general3A_120, %add3A_124 : vector<10240x128xf32>
    %slice3A_126 = vector.extract_strided_slice %add3A_125 {offsets = [0, 0], sizes = [10000, 128], strides = [1, 1]} : vector<10240x128xf32> to vector<10000x128xf32>
    %swap3A = arith.constant 0 : index
    %swap3A_127 = arith.constant 0 : index
    %swap3A_128 = vector.load %arg14[%swap3A, %swap3A_127] : memref<10000x128xf32, #tpu.memory_space<vmem>>, vector<10000x128xf32>
    tpu.vector_store %arg14[%swap3A, %swap3A_127], %slice3A_126 {strides = array<i32>} : memref<10000x128xf32, #tpu.memory_space<vmem>>, vector<10000x128xf32>,
    return
  }
}

</mosaic_0001>

<sc_bundles>
// kernel: kernel.5.cloned.1.call-start
scs
__scs_entry_jumppad:
0x0: {  	(pc) =	sbr.rel $0x88, $3  }
0x1: {  	(tag) =	ssettag $0x0;
	lr =	simm.s32 $0x1  }
0x2: {  	[smem:$0x3F8F] =	sst lr;
	_ =	strace $0xD0000000  }
0x3: {  	_ = 	snop  }
0x4: {  	_ = 	snop  }
0x5: {  	_ = 	snop  }
0x6: {  	_ = 	snop  }
0x7: {  	_ = 	snop  }
__scs_overlays_trampoline_lowered:
0x8: {  	[smem:$0x3F9E] =	sst s0  }
0x9: {  	[smem:$0x3F9F] =	sst s1  }
0xa: {  	[smem:$0x3FA0] =	sst s2  }
0xb: {  	[smem:$0x3FA1] =	sst s3  }
0xc: {  	[smem:$0x3FA2] =	sst s4  }
0xd: {  	[smem:$0x3FA3] =	sst s5  }
0xe: {  	[smem:$0x3FA4] =	sst s6  }
0xf: {  	[smem:$0x3FA5] =	sst s7  }
0x10: {  	[smem:$0x3FA6] =	sst s8  }
0x11: {  	[smem:$0x3FA7] =	sst s9;
	s0 =	simm.s32 @!p0 $0x0  }
0x12: {  	s1 =	sld [smem:$0x3F8D];
	s0 =	simm.s32 @p0 $0x1  }
0x13: {  	[smem:$0x3FA8] =	sst s0;
	s0 =	simm.s32 @!p1 $0x0  }
0x14: {  	s2 =	sld [smem:$0x3F8C];
	s0 =	simm.s32 @p1 $0x1  }
0x15: {  	[smem:$0x3FA9] =	sst s0;
	s0 =	simm.s32 @!p2 $0x0  }
0x16: {  	s3 =	sld [smem:$0x3FDB];
	s0 =	simm.s32 @p2 $0x1  }
0x17: {  	s4 =	simm.s32 $0x1BF5;
	[smem:$0x3FAB] =	sst s0  }
0x18: {  	s0 =	sld [smem:$0x3F8E];
	_ =	swait.ge [sflag:s4], $0x0  }
0x19: {  	s7 =	sld [smem:$0x3F8F]  }
0x1a: {  	s8 =	sadd.s32 $0xFFFFE003, lr  }
0x1b: {  	s9 =	sadd.s32 $0xFFFFFEF7, lr;
	s5 =	simm.s32 $0xFFFFFFFF;
	p2 =	slt.u32 s8, $0xFFFFF086  }
0x1c: {  	p1 =	slt.u32 s9, $0xF7A;
	s5 =	simm.s32 @!p2 $0x0  }
0x1d: {  	s5 =	simm.s32 @p1 $0x1;
	p0 =	seq.s32 s7, s2  }
0x1e: {  	s7 =	smul.u32 @!p0 $0xF7A, s2;
	p2 =	seq.s32 @!p0 s5, $0x0  }
0x1f: {  	s9 =	smul.u32 $0xF7A, s1;
	s8 =	simm.s32 @!p0 $0x1BF5;
	p2 =	por !p2, p0  }
0x20: {  	[sflag:s8] =	ssyncset.s32 @!p0 $0xFFFFF086;
	s6 =	sadd.s32 @!p0 s3, s7;
	s7 =	simm.s32 @!p0 $0x108  }
0x21: {  	s3 =	sadd.s32 s3, s9;
	s6 =	sadd.s32 @!p0 $0x88, s6;
	s7 =	simm.s32 @p2 $0x1082  }
0x22: {  	[simem:s7], [sflag:s8] =	dma.local @!p0 [hbm:s6], $0xF7A  }
0x23: {  	s9 =	sor.u32 $0xD0000000, s2;
	s6 =	simm.s32 $0x108;
	_ =	swait.ge @!p0 [sflag:s8], $0x0  }
0x24: {  	s3 =	sadd.s32 $0x88, s3;
	s6 =	simm.s32 @!p1 $0x1082;
	[sflag:s4] =	ssyncset.s32 $0xFFFFF086  }
0x25: {  	[simem:s6], [sflag:s4] =	dma.local [hbm:s3], $0xF7A  }
0x26: {  	[smem:$0x3F8F] =	sst s1;
	(tag) =	ssettag s2;
	_ =	strace s9  }
0x27: {  	s1 =	sld [smem:$0x3F9F]  }
0x28: {  	s2 =	sld [smem:$0x3FA0]  }
0x29: {  	s4 =	sld [smem:$0x3FA2]  }
0x2a: {  	p0 =	seq.s32 s5, $0x0;
	s5 =	sld [smem:$0x3FA3]  }
0x2b: {  	s6 =	sld [smem:$0x3FA4]  }
0x2c: {  	s7 =	sld [smem:$0x3FA5]  }
0x2d: {  	s3 =	simm.s32 $0x108;
	s8 =	sld [smem:$0x3FA6]  }
0x2e: {  	s3 =	simm.s32 @!p0 $0x1082;
	s9 =	sld [smem:$0x3FA7]  }
0x2f: {  	lr =	sadd.s32 s0, s3;
	s0 =	sld [smem:$0x3F9E]  }
0x30: {  	s3 =	sld [smem:$0x3FA1]  }
0x31: {  	[smem:$0x3FAA] =	sst s10  }
0x32: {  	s10 =	sld [smem:$0x3FA8];
	_ =	sdelay $0x3  }
0x33: {  	p0 =	seq.s32 s10, $0x1;
	s10 =	sld [smem:$0x3FAA];
	_ =	sdelay $0x3  }
0x34: {  	[smem:$0x3FAA] =	sst s10  }
0x35: {  	s10 =	sld [smem:$0x3FA9];
	_ =	sdelay $0x3  }
0x36: {  	p1 =	seq.s32 s10, $0x1;
	s10 =	sld [smem:$0x3FAA];
	_ =	sdelay $0x3  }
0x37: {  	[smem:$0x3FAA] =	sst s10  }
0x38: {  	s10 =	sld [smem:$0x3FAB]  }
0x39: {  	_ = 	snop;
	(pc) =	sbr.ind lr, $3  }
0x3a: {  	_ = 	snop  }
0x3b: {  	_ = 	snop  }
0x3c: {  	p2 =	seq.s32 s10, $0x1;
	s10 =	sld [smem:$0x3FAA]  }
0x3d: {  	_ =	shalt  }
0x3e: {  	_ =	shalt  }
0x3f: {  	_ =	shalt  }
0x40: {  	_ =	shalt  }
0x41: {  	_ =	shalt  }
0x42: {  	_ =	shalt  }
0x43: {  	_ =	shalt  }
0x44: {  	_ =	shalt  }
0x45: {  	_ =	shalt  }
0x46: {  	_ =	shalt  }
0x47: {  	_ =	shalt  }
0x48: {  	_ =	shalt  }
0x49: {  	_ =	shalt  }
0x4a: {  	_ =	shalt  }
0x4b: {  	_ =	shalt  }
0x4c: {  	_ =	shalt  }
0x4d: {  	_ =	shalt  }
0x4e: {  	_ =	shalt  }
0x4f: {  	_ =	shalt  }
0x50: {  	_ =	shalt  }
0x51: {  	_ =	shalt  }
0x52: {  	_ =	shalt  }
0x53: {  	_ =	shalt  }
0x54: {  	_ =	shalt  }
0x55: {  	_ =	shalt  }
0x56: {  	_ =	shalt  }
0x57: {  	_ =	shalt  }
0x58: {  	_ =	shalt  }
0x59: {  	_ =	shalt  }
0x5a: {  	_ =	shalt  }
0x5b: {  	_ =	shalt  }
0x5c: {  	_ =	shalt  }
0x5d: {  	_ =	shalt  }
0x5e: {  	_ =	shalt  }
0x5f: {  	_ =	shalt  }
0x60: {  	_ =	shalt  }
0x61: {  	_ =	shalt  }
0x62: {  	_ =	shalt  }
0x63: {  	_ =	shalt  }
0x64: {  	_ =	shalt  }
0x65: {  	_ =	shalt  }
0x66: {  	_ =	shalt  }
0x67: {  	_ =	shalt  }
0x68: {  	_ =	shalt  }
0x69: {  	_ =	shalt  }
0x6a: {  	_ =	shalt  }
0x6b: {  	_ =	shalt  }
0x6c: {  	_ =	shalt  }
0x6d: {  	_ =	shalt  }
0x6e: {  	_ =	shalt  }
0x6f: {  	_ =	shalt  }
0x70: {  	_ =	shalt  }
0x71: {  	_ =	shalt  }
0x72: {  	_ =	shalt  }
0x73: {  	_ =	shalt  }
0x74: {  	_ =	shalt  }
0x75: {  	_ =	shalt  }
0x76: {  	_ =	shalt  }
0x77: {  	_ =	shalt  }
0x78: {  	_ =	shalt  }
0x79: {  	_ =	shalt  }
0x7a: {  	_ =	shalt  }
0x7b: {  	_ =	shalt  }
0x7c: {  	_ =	shalt  }
0x7d: {  	_ =	shalt  }
0x7e: {  	_ =	shalt  }
0x7f: {  	_ =	shalt  }
0x80: {  	_ =	shalt  }
0x81: {  	_ =	shalt  }
0x82: {  	_ =	shalt  }
0x83: {  	_ =	shalt  }
0x84: {  	_ =	shalt  }
0x85: {  	_ =	shalt  }
0x86: {  	_ =	shalt  }
0x87: {  	_ =	shalt  }
.Lfunc_end0:
.L_simem_size_0:
called_computation_lowered:
.L_overlay_start_0:
0x88: {  	s2 =	sld [smem:$0x3FD9]  }
0x89: {  	s3 =	sld [smem:$0x3FFE];
	_ =	sdelay $0x1  }
0x8a: {  	s1 =	srdreg.scid  }
0x8b: {  	s0 =	sand.u32 $0x1, s1  }
0x8c: {  	s14 =	sshll.u32 s0, $0xA;
	s2 =	sadd.s32 s3, s2  }
0x8d: {  	s2 =	sadd.s32 s2, s14  }
0x8e: {  	[smem:$0x3FB6] =	sst s2  }
0x8f: {  	_ = 	snop  }
0x90: {  	s2 =	sld [smem:$0x3FD0];
	_ =	sdelay $0x2  }
0x91: {  	s15 =	simm.s32 $0xA;
	s4 =	simm.s32 $0x10  }
0x92: {  	[smem:s4], [sflag:s15] =	dma.local [hbm:s2], $0x1  }
0x93: {  	_ =	swait.eq [sflag:s15], $0x1  }
0x94: {  	[sflag:s15] =	ssyncset.done $0x0  }
0x95: {  	s16 =	sld [smem:$0x10];
	[sflag:s15] =	ssyncadd.s32 $0xFFFFFFFF  }
0x96: {  	s17 =	sld [smem:$0x12];
	(tm) =	ssettm $0x1  }
0x97: {  	s18 =	sld [smem:$0x3FFB];
	_ =	sdelay $0x3  }
0x98: {  	_ =	strace s18  }
0x99: {  	s4 =	sld [smem:$0x3FFC];
	_ =	sdelay $0x3  }
0x9a: {  	_ =	strace s4  }
0x9b: {  	s4 =	sld [smem:$0x3FFD];
	_ =	sdelay $0x3  }
0x9c: {  	_ =	strace s4  }
0x9d: {  	_ =	strace $0x8FFFFFFF  }
0x9e: {  	s19 =	sld [smem:$0x3FDB];
	_ =	sdelay $0x1  }
0x9f: {  	s5 =	simm.s32 $_scs_section_size  }
0xa0: {  	s6 =	simm.s32 $_size__tile_overlayer_lowered;
	s7 =	simm.s32 $_tile_overlayer_lowered  }
0xa1: {  	s22 =	simm.s32 $0x1BFF;
	s21 =	sshll.u32 s7, $0x1;
	s4 =	sadd.s32 s5, s19  }
0xa2: {  	s8 =	simm.s32 $0x0;
	s20 =	sshll.u32 s6, $0x1;
	s6 =	sadd.s32 s21, s4  }
0xa3: {  	[timem:s8], [sflag:s22] =	dma.local [hbm:s6], s20  }
0xa4: {  	_ =	swait.ge [sflag:s22], s20  }
0xa5: {  	s5 =	ssub.s32 $0x0, s20;
	[sflag:s22] =	ssyncset.done $0x0  }
0xa6: {  	[sflag:s22] =	ssyncadd.s32 s5;
	_ =	sdelay $0x1  }
0xa7: {  	s23 =	simm.s32 $0x1B8B  }
0xa8: {  	_ =	swait.ge [sflag:s23], $0x1  }
0xa9: {  	[sflag:s23] =	ssyncset.done $0x0  }
0xaa: {  	s25 =	simm.s32 $0x1B8E;
	s24 =	sld [smem:$0x3FFE];
	[sflag:s23] =	ssyncadd.s32 $0xFFFFFFFF  }
0xab: {  	s26 =	simm.s32 $execute0_lowered;
	[smem:$0x3FD2] =	sst s25  }
0xac: {  	s6 =	sshll.u32 s26, $0x1;
	_ =	strace $0x80000046;
	[dreg:$0x1] =	wrdreg $0xFFFFFFFF  }
0xad: {  	s28 =	simm.s32 $_size_execute0_lowered;
	s4 =	sadd.s32 s4, s6;
	[dreg:$0x0] =	wrdreg $0x0  }
0xae: {  	s6 =	sshll.u32 s28, $0x1;
	[dreg:$0x2] =	wrdreg s4  }
0xaf: {  	[dreg:$0x3] =	wrdreg s6  }
0xb0: {  	[dreg:$0x4] =	wrdreg $0xC0  }
0xb1: {  	_ =	task [dreg:s8], $0x5FFFF  }
0xb2: {  	[dreg:$0x1] =	wrdreg $0xFFFFFFFF  }
0xb3: {  	[dreg:$0x0] =	wrdreg $0x60  }
0xb4: {  	[dreg:$0x2] =	wrdreg s24  }
0xb5: {  	[dreg:$0x3] =	wrdreg s17  }
0xb6: {  	[dreg:$0x4] =	wrdreg s16  }
0xb7: {  	[dreg:$0x5] =	wrdreg $0xB8000  }
0xb8: {  	[dreg:$0x6] =	wrdreg $0x9  }
0xb9: {  	_ =	task.clear_ibuf [dreg:s8], $0x7FFFF;
	_ =	strace $0x90000046  }
0xba: {  	s29 =	simm.s32 $0x9;
	_ =	strace $0x80000048  }
0xbb: {  	_ =	swait.ge [sflag:s29], $0x1  }
0xbc: {  	[sflag:s29] =	ssyncadd.s32 $0xFFFFFFFF  }
0xbd: {  	_ =	strace $0x90000048  }
0xbe: {  	_ =	sfence  }
0xbf: {  	s30 =	sld [smem:$0x0];
	_ =	sdelay $0x2  }
0xc0: {  	s31 =	sshll.u32 s1, $0xD;
	s1 =	sshrl.u32 s1, $0x2  }
0xc1: {  	s3 =	sand.u32 $0x4000, s31;
	s1 =	sadd.s32 s1, s30  }
0xc2: {  	s0 =	sor.u32 s3, s0;
	s1 =	sshll.u32 s1, $0x11  }
0xc3: {  	s0 =	sor.u32 s1, s0  }
0xc4: {  	s0 =	sadd.s32 $0x8F2B, s0  }
0xc5: {  	[sflag:s0] =	ssyncadd.remote.s32 $0x1  }
0xc6: {  	_ =	sfence.sel $0xFFFF  }
0xc7: {  	[dreg:$0x0] =	wrdreg $0xFFFFFFFF;
	(pc) =	sbr.abs _section_cstart, $3  }
0xc8: {  	[dreg:$0x1] =	wrdreg $0xFFFFFFFF  }
0xc9: {  	_ =	task.clear_ibuf [dreg:s8], $0x2FFFF;
	_ =	strace $0x9FFFFFFF  }
0xca: {  	(tm) =	ssettm $0x7FFFFFFF  }
0xcb: {  	_ =	shalt  }
tec
execute0_lowered:
.L_overlay_start_1:
0x0: {  	(tag) =	ssettag $0x1  }
0x1: {  	s7 =	rddreg [dreg:$0x0]  }
0x2: {  	s1 =	rddreg [dreg:$0x1]  }
0x3: {  	s2 =	rddreg [dreg:$0x2]  }
0x4: {  	s3 =	rddreg [dreg:$0x3];
	s4 =	srdreg.scid;
	s5 =	simm.s32 $0x0  }
0x5: {  	s0 =	stileid.u32;
	s16 =	simm.s32 $0x1000;
	s17 =	simm.s32 $0x3  }
0x6: {  	s18 =	simm.s32 $0x800;
	s19 =	simm.s32 $0x80;
	s20 =	simm.s32 $0x5000  }
0x7: {  	s21 =	simm.s32 $0x1;
	s22 =	simm.s32 $0x9000;
	s23 =	simm.s32 $0x2  }
0x8: {  	s24 =	simm.s32 $0x780;
	s25 =	simm.s32 $0xF00;
	s26 =	simm.s32 $0xF80  }
0x9: {  	s28 =	simm.s32 $0x400;
	s8 =	sand.u32 $0x1, s4;
	s10 =	smul.u32 $0x14000, s0  }
0xa: {  	[smem:$0x7FF] =	sst s5;
	s30 =	smul.u32 $0x50000, s0;
	s9 =	sshll.u32 s8, $0x4  }
0xb: {  	s12 =	sshll.u32 s0, $0x7;
	s6 =	smul.u32 $0x140000, s8;
	s9 =	sor.u32 s0, s9  }
0xc: {  	_ =	strace $0x80000047;
	s8 =	ssub.s32 $0x2, s8;
	s11 =	sshrl.u32 s9, $0x3  }
0xd: {  	s12 =	sand.u32 $0x380, s12;
	s13 =	sshrl.u32 s8, $0x1;
	s11 =	smul.u32 $0x14000, s11  }
0xe: {  	s31 =	sshrl.u32 s30, $0x2;
	s10 =	sadd.s32 s10, s6;
	s6 =	sadd.s32 $0x3400, s7  }
0xf: {  	s13 =	ssub.s32 s8, s13;
	s10 =	sshrl.u32 s10, $0x3;
	s11 =	sor.u32 s12, s11  }
0x10: {  	s8 =	smul.u32 $0x2800, s9;
	s10 =	sadd.s32 s10, s7;
	s11 =	sshrl.u32 s11, $0x3  }
0x11: {  	s9 =	sadd.s32 $0x2B400, s10;
	s11 =	sadd.s32 s11, s7;
	s7 =	sadd.s32 s31, s3  }
0x12: {  	s10 =	sadd.s32 $0x7B400, s11;
	s11 =	smax.u32 s13, $0x1;
	s12 =	sadd.s32 $0x4000, s7  }
0x13: {  	v0 =	vimm.f32 $0.0e+00;
	v1 =	vimm.f32 $1.000000000e+00;
	s13 =	sadd.s32 $0x8000, s7;
	s14 =	sadd.s32 $0xC000, s7;
	s15 =	sadd.s32 $0x10000, s7  }
.LBB2_1:
0x14: {  	s29 =	simm.s32 $0x0;
	s30 =	simm.s32 $0x200  }
.LBB2_2:
0x15: {  	p0 =	sne.s32 s30, $0xFE00;
	[tilespmem:s29+$0x1070] =	vst v0  }
0x16: {  	[tilespmem:s29+$0x1000] =	vst v0  }
0x17: {  	[tilespmem:s29+$0x1010] =	vst v0  }
.Ltmp0:
0x18: {  	[tilespmem:s29+$0x1020] =	vst v0;
	(pc) =	sbr.rel @p0 .LBB2_2-.Ltmp0, $4  }
0x19: {  	[tilespmem:s29+$0x1030] =	vst v0  }
0x1a: {  	[tilespmem:s29+$0x1040] =	vst v0  }
0x1b: {  	[tilespmem:s29+$0x1050] =	vst v0  }
0x1c: {  	[tilespmem:s29+$0x1060] =	vst v0;
	s29 =	sshra.s32 s30, $0x2;
	s30 =	sadd.s32 $0x200, s30  }
0x1d: {  	[tilespmem:s29+$0x1070] =	vst v0  }
0x1e: {  	[tilespmem:s29+$0x1000] =	vst v0  }
0x1f: {  	[tilespmem:s29+$0x1010] =	vst v0  }
0x20: {  	[tilespmem:s29+$0x1020] =	vst v0  }
0x21: {  	[tilespmem:s29+$0x1030] =	vst v0  }
0x22: {  	[tilespmem:s29+$0x1040] =	vst v0  }
0x23: {  	[tilespmem:s29+$0x1050] =	vst v0  }
0x24: {  	[tilespmem:s29+$0x1060] =	vst v0;
	s29 =	simm.s32 $0x40;
	s30 =	simm.s32 $0x0  }
.LBB2_4:
0x25: {  	p0 =	sne.s32 s29, $0x9FC0;
	[tilespmem:s30+$0x9000] =	vst v0;
	s30 =	smov.u32 s29;
	s29 =	sadd.s32 $0x40, s29  }
.Ltmp1:
0x26: {  	(pc) =	sbr.rel @p0 .LBB2_4-.Ltmp1, $2  }
0x27: {  	_ =	sdelay $0x2  }
0x28: {  	s30 =	sshra.s32 s30, $0x2  }
0x29: {  	[tilespmem:s30+$0x9000] =	vst v0  }
0x2a: {  	[spmem:s7] =	stream.linear.scatter [tilespmem:s16], [sflag:$0x3], $0x4000, $0x38;
	[tilespmem:$0x1F800] =	vst v63  }
0x2b: {  	_ =	swait.ge [sflag:s17], $0x4000  }
0x2c: {  	[sflag:s17] =	ssyncset.done $0x0  }
0x2d: {  	[sflag:s17] =	ssyncadd.s32 $0xFFFFC000  }
0x2e: {  	[spmem:s12] =	stream.linear.scatter [tilespmem:s16], [sflag:$0x3], $0x4000, $0x38;
	[tilespmem:$0x1F800] =	vst v63  }
0x2f: {  	_ =	swait.ge [sflag:s17], $0x4000  }
0x30: {  	[sflag:s17] =	ssyncset.done $0x0  }
0x31: {  	[sflag:s17] =	ssyncadd.s32 $0xFFFFC000  }
0x32: {  	[spmem:s13] =	stream.linear.scatter [tilespmem:s16], [sflag:$0x3], $0x4000, $0x38;
	[tilespmem:$0x1F800] =	vst v63  }
0x33: {  	_ =	swait.ge [sflag:s17], $0x4000  }
0x34: {  	[sflag:s17] =	ssyncset.done $0x0  }
0x35: {  	[sflag:s17] =	ssyncadd.s32 $0xFFFFC000  }
0x36: {  	[spmem:s14] =	stream.linear.scatter [tilespmem:s16], [sflag:$0x3], $0x4000, $0x38;
	[tilespmem:$0x1F800] =	vst v63  }
0x37: {  	_ =	swait.ge [sflag:s17], $0x4000  }
0x38: {  	[sflag:s17] =	ssyncset.done $0x0  }
0x39: {  	[sflag:s17] =	ssyncadd.s32 $0xFFFFC000  }
0x3a: {  	[spmem:s15] =	stream.linear.scatter [tilespmem:s16], [sflag:$0x3], $0x4000, $0x38;
	[tilespmem:$0x1F800] =	vst v63  }
0x3b: {  	_ =	swait.ge [sflag:s17], $0x4000  }
0x3c: {  	[sflag:s17] =	ssyncset.done $0x0  }
0x3d: {  	[sflag:s17] =	ssyncadd.s32 $0xFFFFC000  }
0x3e: {  	s29 =	simm.s32 $0x0;
	s30 =	simm.s32 $0x0;
	[bflag:$0x0] =	sbarrier.arrive $0xFFFF  }
.LBB2_6:
0x3f: {  	s31 =	sshll.u32 s30, $0xB  }
0x40: {  	s31 =	sadd.s32 s8, s31  }
0x41: {  	s31 =	sshrl.u32 s31, $0x3  }
0x42: {  	s0 =	sadd.s32 s1, s31  }
0x43: {  	[tilespmem:s29], [sflag:$0x3] =	stream.linear.gather [hbm4b:s0+s29], $0x800, $0x38;
	[tilespmem:$0x1F800] =	vst v63  }
0x44: {  	_ =	swait.ge [sflag:s17], $0x800  }
0x45: {  	[sflag:s17] =	ssyncset.done $0x0  }
0x46: {  	s4 =	sadd.s32 s2, s31;
	[sflag:s17] =	ssyncadd.s32 $0xFFFFF800  }
0x47: {  	[tilespmem:s18], [sflag:$0x3] =	stream.linear.gather [hbm4b:s4+s29], $0x800, $0x38;
	[tilespmem:$0x1F800] =	vst v63  }
0x48: {  	_ =	swait.ge [sflag:s17], $0x800  }
0x49: {  	[sflag:s17] =	ssyncset.done $0x0  }
0x4a: {  	s31 =	simm.s32 $0x0;
	[sflag:s17] =	ssyncadd.s32 $0xFFFFF800  }
0x4b: {  	[tilespmem:s16], [sflag:$0x1] =	stream.indirect.gather [hbm4b:s6+s19], $0x80, s29, s19, $0xb8;
	[tilespmem:$0x1F800] =	vst v63  }
.LBB2_7:
0x4c: {  	s0 =	sshra.s32 s31, $0x2  }
0x4d: {  	s4 =	sadd.s32 $0x80, s0  }
0x4e: {  	[tilespmem:s20], [sflag:$0x2] =	stream.indirect.gather [hbm4b:s6+s19], $0x80, s4, s19, $0xb8;
	[tilespmem:$0x1F800] =	vst v63  }
0x4f: {  	_ =	swait.ge [sflag:s21], $0x4000  }
0x50: {  	[sflag:s21] =	ssyncset.done $0x0  }
0x51: {  	s4 =	sadd.s32 $0x800, s0;
	[sflag:s21] =	ssyncadd.s32 $0xFFFFC000  }
0x52: {  	[spmem:s3] =	stream.indirect.scatter.add.f32 [tilespmem:s16], [sflag:$0x3], $0x80, s4, s19, $0xb8;
	[tilespmem:$0x1F800] =	vst v63  }
0x53: {  	_ =	swait.ge [sflag:s17], $0x4000  }
0x54: {  	[sflag:s17] =	ssyncset.done $0x0  }
0x55: {  	[sflag:s17] =	ssyncadd.s32 $0xFFFFC000  }
0x56: {  	v2 =	vld [tilespmem:s0+$0x800];
	_ =	sdelay $0x7  }
0x57: {  	[tilespmem:v2+s22+$0x0] =	vst.idx.add.f32.msk $0xffff, v1  }
0x58: {  	v2 =	vld [tilespmem:s0+$0x810];
	_ =	sdelay $0x7  }
0x59: {  	[tilespmem:v2+s22+$0x0] =	vst.idx.add.f32.msk $0xffff, v1  }
0x5a: {  	v2 =	vld [tilespmem:s0+$0x820];
	_ =	sdelay $0x7  }
0x5b: {  	[tilespmem:v2+s22+$0x0] =	vst.idx.add.f32.msk $0xffff, v1  }
0x5c: {  	v2 =	vld [tilespmem:s0+$0x830];
	_ =	sdelay $0x7  }
0x5d: {  	[tilespmem:v2+s22+$0x0] =	vst.idx.add.f32.msk $0xffff, v1  }
0x5e: {  	v2 =	vld [tilespmem:s0+$0x840];
	_ =	sdelay $0x7  }
0x5f: {  	[tilespmem:v2+s22+$0x0] =	vst.idx.add.f32.msk $0xffff, v1  }
0x60: {  	v2 =	vld [tilespmem:s0+$0x850];
	_ =	sdelay $0x7  }
0x61: {  	[tilespmem:v2+s22+$0x0] =	vst.idx.add.f32.msk $0xffff, v1  }
0x62: {  	v2 =	vld [tilespmem:s0+$0x860];
	_ =	sdelay $0x7  }
0x63: {  	[tilespmem:v2+s22+$0x0] =	vst.idx.add.f32.msk $0xffff, v1  }
0x64: {  	v2 =	vld [tilespmem:s0+$0x870];
	_ =	sdelay $0x7  }
0x65: {  	s4 =	sadd.s32 $0x100, s0;
	[tilespmem:v2+s22+$0x0] =	vst.idx.add.f32.msk $0xffff, v1  }
0x66: {  	[tilespmem:s16], [sflag:$0x1] =	stream.indirect.gather [hbm4b:s6+s19], $0x80, s4, s19, $0xb8;
	[tilespmem:$0x1F800] =	vst v63  }
0x67: {  	_ =	swait.ge [sflag:s23], $0x4000  }
0x68: {  	[sflag:s23] =	ssyncset.done $0x0  }
0x69: {  	s4 =	sadd.s32 $0x880, s0;
	[sflag:s23] =	ssyncadd.s32 $0xFFFFC000  }
0x6a: {  	[spmem:s3] =	stream.indirect.scatter.add.f32 [tilespmem:s20], [sflag:$0x3], $0x80, s4, s19, $0xb8;
	[tilespmem:$0x1F800] =	vst v63  }
0x6b: {  	_ =	swait.ge [sflag:s17], $0x4000  }
0x6c: {  	[sflag:s17] =	ssyncset.done $0x0  }
0x6d: {  	[sflag:s17] =	ssyncadd.s32 $0xFFFFC000  }
0x6e: {  	v2 =	vld [tilespmem:s0+$0x880];
	_ =	sdelay $0x7  }
0x6f: {  	[tilespmem:v2+s22+$0x0] =	vst.idx.add.f32.msk $0xffff, v1  }
0x70: {  	v2 =	vld [tilespmem:s0+$0x890];
	_ =	sdelay $0x7  }
0x71: {  	[tilespmem:v2+s22+$0x0] =	vst.idx.add.f32.msk $0xffff, v1  }
0x72: {  	v2 =	vld [tilespmem:s0+$0x8A0];
	_ =	sdelay $0x7  }
0x73: {  	[tilespmem:v2+s22+$0x0] =	vst.idx.add.f32.msk $0xffff, v1  }
0x74: {  	v2 =	vld [tilespmem:s0+$0x8B0];
	_ =	sdelay $0x7  }
0x75: {  	[tilespmem:v2+s22+$0x0] =	vst.idx.add.f32.msk $0xffff, v1  }
0x76: {  	v2 =	vld [tilespmem:s0+$0x8C0];
	_ =	sdelay $0x7  }
0x77: {  	[tilespmem:v2+s22+$0x0] =	vst.idx.add.f32.msk $0xffff, v1  }
0x78: {  	v2 =	vld [tilespmem:s0+$0x8D0];
	_ =	sdelay $0x7  }
0x79: {  	[tilespmem:v2+s22+$0x0] =	vst.idx.add.f32.msk $0xffff, v1  }
0x7a: {  	v2 =	vld [tilespmem:s0+$0x8E0];
	_ =	sdelay $0x7  }
0x7b: {  	[tilespmem:v2+s22+$0x0] =	vst.idx.add.f32.msk $0xffff, v1  }
0x7c: {  	v2 =	vld [tilespmem:s0+$0x8F0];
	_ =	sdelay $0x2  }
0x7d: {  	p0 =	sne.s32 s31, $0x1800  }
.Ltmp2:
0x7e: {  	_ = 	snop;
	(pc) =	sbr.rel @p0 .LBB2_7-.Ltmp2, $2  }
0x7f: {  	_ =	sdelay $0x2  }
0x80: {  	s31 =	sadd.s32 $0x400, s31;
	[tilespmem:v2+s22+$0x0] =	vst.idx.add.f32.msk $0xffff, v1  }
0x81: {  	[tilespmem:s20], [sflag:$0x2] =	stream.indirect.gather [hbm4b:s6+s19], $0x80, s24, s19, $0xb8;
	[tilespmem:$0x1F800] =	vst v63  }
0x82: {  	_ =	swait.ge [sflag:s21], $0x4000  }
0x83: {  	[sflag:s21] =	ssyncset.done $0x0  }
0x84: {  	[sflag:s21] =	ssyncadd.s32 $0xFFFFC000  }
0x85: {  	[spmem:s3] =	stream.indirect.scatter.add.f32 [tilespmem:s16], [sflag:$0x3], $0x80, s25, s19, $0xb8;
	[tilespmem:$0x1F800] =	vst v63  }
0x86: {  	_ =	swait.ge [sflag:s17], $0x4000  }
0x87: {  	[sflag:s17] =	ssyncset.done $0x0  }
0x88: {  	[sflag:s17] =	ssyncadd.s32 $0xFFFFC000  }
0x89: {  	v2 =	vld [tilespmem:$0xF00];
	_ =	sdelay $0x7  }
0x8a: {  	[tilespmem:v2+s22+$0x0] =	vst.idx.add.f32.msk $0xffff, v1  }
0x8b: {  	v2 =	vld [tilespmem:$0xF10];
	_ =	sdelay $0x7  }
0x8c: {  	[tilespmem:v2+s22+$0x0] =	vst.idx.add.f32.msk $0xffff, v1  }
0x8d: {  	v2 =	vld [tilespmem:$0xF20];
	_ =	sdelay $0x7  }
0x8e: {  	[tilespmem:v2+s22+$0x0] =	vst.idx.add.f32.msk $0xffff, v1  }
0x8f: {  	v2 =	vld [tilespmem:$0xF30];
	_ =	sdelay $0x7  }
0x90: {  	[tilespmem:v2+s22+$0x0] =	vst.idx.add.f32.msk $0xffff, v1  }
0x91: {  	v2 =	vld [tilespmem:$0xF40];
	_ =	sdelay $0x7  }
0x92: {  	[tilespmem:v2+s22+$0x0] =	vst.idx.add.f32.msk $0xffff, v1  }
0x93: {  	v2 =	vld [tilespmem:$0xF50];
	_ =	sdelay $0x7  }
0x94: {  	[tilespmem:v2+s22+$0x0] =	vst.idx.add.f32.msk $0xffff, v1  }
0x95: {  	v2 =	vld [tilespmem:$0xF60];
	_ =	sdelay $0x7  }
0x96: {  	[tilespmem:v2+s22+$0x0] =	vst.idx.add.f32.msk $0xffff, v1  }
0x97: {  	v2 =	vld [tilespmem:$0xF70];
	_ =	sdelay $0x7  }
0x98: {  	[tilespmem:v2+s22+$0x0] =	vst.idx.add.f32.msk $0xffff, v1  }
0x99: {  	[tilespmem:s16], [sflag:$0x1] =	stream.indirect.gather [hbm4b:s6+s19], $0x80, s24, s19, $0xb8;
	[tilespmem:$0x1F800] =	vst v63  }
0x9a: {  	_ =	swait.ge [sflag:s23], $0x4000  }
0x9b: {  	[sflag:s23] =	ssyncset.done $0x0  }
0x9c: {  	[sflag:s23] =	ssyncadd.s32 $0xFFFFC000  }
0x9d: {  	[spmem:s3] =	stream.indirect.scatter.add.f32 [tilespmem:s20], [sflag:$0x3], $0x80, s26, s19, $0xb8;
	[tilespmem:$0x1F800] =	vst v63  }
0x9e: {  	_ =	swait.ge [sflag:s17], $0x4000  }
0x9f: {  	[sflag:s17] =	ssyncset.done $0x0  }
0xa0: {  	[sflag:s17] =	ssyncadd.s32 $0xFFFFC000  }
0xa1: {  	v2 =	vld [tilespmem:$0xF80];
	_ =	sdelay $0x7  }
0xa2: {  	[tilespmem:v2+s22+$0x0] =	vst.idx.add.f32.msk $0xffff, v1  }
0xa3: {  	v2 =	vld [tilespmem:$0xF90];
	_ =	sdelay $0x7  }
0xa4: {  	[tilespmem:v2+s22+$0x0] =	vst.idx.add.f32.msk $0xffff, v1  }
0xa5: {  	v2 =	vld [tilespmem:$0xFA0];
	_ =	sdelay $0x7  }
0xa6: {  	[tilespmem:v2+s22+$0x0] =	vst.idx.add.f32.msk $0xffff, v1  }
0xa7: {  	v2 =	vld [tilespmem:$0xFB0];
	_ =	sdelay $0x7  }
0xa8: {  	[tilespmem:v2+s22+$0x0] =	vst.idx.add.f32.msk $0xffff, v1  }
0xa9: {  	v2 =	vld [tilespmem:$0xFC0];
	_ =	sdelay $0x7  }
0xaa: {  	[tilespmem:v2+s22+$0x0] =	vst.idx.add.f32.msk $0xffff, v1  }
0xab: {  	v2 =	vld [tilespmem:$0xFD0];
	_ =	sdelay $0x7  }
0xac: {  	[tilespmem:v2+s22+$0x0] =	vst.idx.add.f32.msk $0xffff, v1  }
0xad: {  	v2 =	vld [tilespmem:$0xFE0];
	_ =	sdelay $0x7  }
0xae: {  	[tilespmem:v2+s22+$0x0] =	vst.idx.add.f32.msk $0xffff, v1  }
0xaf: {  	v2 =	vld [tilespmem:$0xFF0];
	_ =	sdelay $0x4  }
0xb0: {  	s30 =	sadd.s32 $0x1, s30  }
0xb1: {  	p0 =	sne.s32 s30, $0x5  }
.Ltmp3:
0xb2: {  	_ = 	snop;
	(pc) =	sbr.rel @p0 .LBB2_6-.Ltmp3, $4  }
0xb3: {  	[tilespmem:v2+s22+$0x0] =	vst.idx.add.f32.msk $0xffff, v1  }
0xb4: {  	_ =	swait.ge [sflag:s21], $0x4000  }
0xb5: {  	[sflag:s21] =	ssyncset.done $0x0  }
0xb6: {  	[sflag:s21] =	ssyncadd.s32 $0xFFFFC000  }
0xb7: {  	s0 =	stileid.u32  }
0xb8: {  	s0 =	sshll.u32 s0, $0x6  }
0xb9: {  	[bflag:$0x0] =	sbarrier.arrive $0xFFFF;
	s4 =	sshrl.u32 s7, $0x3;
	s0 =	sor.u32 $0x1C03, s0  }
0xba: {  	[hbm:s9], [sflag:s0] =	dma.local [spmem:s4], $0x2800  }
0xbb: {  	s5 =	sadd.s32 $0x1, s5;
	_ =	swait.ge [sflag:s17], $0x2800  }
0xbc: {  	p0 =	sne.s32 s5, s11;
	[sflag:s17] =	ssyncset.done $0x0  }
.Ltmp4:
0xbd: {  	[sflag:s17] =	ssyncadd.s32 $0xFFFFD800;
	(pc) =	sbr.rel @p0 .LBB2_1-.Ltmp4, $4  }
0xbe: {  	[hbm4b:s10+s19] =	stream.strided.scatter [tilespmem:s22], [sflag:$0x3], $0x2800, s28, s19, $0x38;
	[tilespmem:$0x1F800] =	vst v63  }
0xbf: {  	_ =	swait.ge [sflag:s17], $0x2800  }
0xc0: {  	[sflag:s17] =	ssyncset.done $0x0  }
0xc1: {  	[sflag:s17] =	ssyncadd.s32 $0xFFFFD800  }
0xc2: {  	_ =	sfence.sel $0x180000  }
0xc3: {  	[bflag:$0x0] =	sbarrier.arrive $0xFFFF  }
0xc4: {  	_ =	strace $0x90000047  }
0xc5: {  	s0 =	stileid.u32;
	[bflag:$0x2] =	sbarrier.arrive $0xFFFF  }
0xc6: {  	p0 =	sne.s32 s0, $0x0;
	s0 =	rddreg [dreg:$0x4]  }
0xc7: {  	s0 =	sadd.s32 @!p0 $0x100000, s0  }
0xc8: {  	[sflag:s0] =	ssyncadd.tile.s32 @!p0 $0x1;
	_ =	shalt  }
.Lfunc_end2:
_tile_overlayer_lowered:
.L_overlay_start_2:
0xc9: {  	(tag) =	ssettag $0x2  }
0xca: {  	s0 =	rddreg [dreg:$0x0];
	s2 =	stileid.u32  }
0xcb: {  	s1 =	rddreg [dreg:$0x1];
	p0 =	sne.s32 s2, $0x0  }
0xcc: {  	s3 =	rddreg [dreg:$0x2];
	[bflag:$0x3] =	sbarrier.arrive $0xFFFF;
	s2 =	simm.s32 @!p0 $0x1C03  }
0xcd: {  	[timem:s3], [sflag:s2] =	dma.local @!p0 [hbm:s0], s1  }
0xce: {  	s0 =	simm.s32 @!p0 $0x3  }
0xcf: {  	_ =	swait.ge @!p0 [sflag:s0], s1  }
0xd0: {  	s1 =	ssub.s32 @!p0 $0x0, s1;
	[sflag:s0] =	ssyncset.done @!p0 $0x0  }
0xd1: {  	[sflag:s0] =	ssyncadd.s32 @!p0 s1  }
0xd2: {  	[bflag:$0x3] =	sbarrier.arrive $0xFFFF  }
0xd3: {  	_ =	shalt  }

</sc_bundles>
